<compile_context>
chip_gen: v7x
topology: tpu7x:2x2x1
jax: 0.10.2.dev20260603
libtpu: 0.0.44.dev20260713+nightly
codegen_flags: <defaults>
</compile_context>

<pallas_src>
import functools

import jax
import jax.numpy as jnp
from jax import lax
from jax.experimental import pallas as pl
from jax.experimental.pallas import tpu as pltpu
from jax.experimental.pallas import tpu_sc as plsc

NC = 2
NS = 16
NW = NC * NS
CHUNK = 64
NBUF = 8


def _emb_lookup(idx, table, total, D, V):
    per_w = total // NW
    nchunks_w = per_w // CHUNK
    mesh = plsc.VectorSubcoreMesh(core_axis_name="c", subcore_axis_name="s")

    @functools.partial(
        pl.kernel,
        out_type=jax.ShapeDtypeStruct((total, D), jnp.float32),
        mesh=mesh,
        scratch_types=[
            pltpu.VMEM((nchunks_w, CHUNK), jnp.int32),
            pltpu.VMEM((NBUF, CHUNK, D), jnp.float32),
            pltpu.VMEM_SHARED((V, D), jnp.float32),
        ]
        + [pltpu.SemaphoreType.DMA] * (2 * NBUF),
    )
    def body(idx_hbm, table_hbm, out_hbm, idx_v, bufs, table_sp, *sems):
        gsem = sems[:NBUF]
        wsem = sems[NBUF:]
        sid = lax.axis_index("s")
        wid = lax.axis_index("c") * NS + sid
        base = wid * per_w

        @pl.when(sid == 0)
        def _():
            pltpu.sync_copy(table_hbm, table_sp)

        pltpu.sync_copy(idx_hbm.at[wid], idx_v)
        plsc.subcore_barrier()

        def start_gather(j, b):
            pltpu.async_copy(table_sp.at[idx_v.at[j]], bufs.at[b], gsem[b])

        def wait_gather(b):
            pltpu.make_async_copy(
                table_sp.at[pl.ds(0, CHUNK)], bufs.at[b], gsem[b]
            ).wait()

        def start_write(j, b):
            pltpu.async_copy(
                bufs.at[b], out_hbm.at[pl.ds(base + j * CHUNK, CHUNK)], wsem[b]
            )

        def wait_write(b):
            pltpu.make_async_copy(
                bufs.at[b], out_hbm.at[pl.ds(base, CHUNK)], wsem[b]
            ).wait()

        for b in range(NBUF):
            start_gather(b, b)

        ngroups = nchunks_w // NBUF

        @pl.loop(0, ngroups - 1)
        def _(g):
            j0 = g * NBUF
            for b in range(NBUF):
                wait_gather(b)
                start_write(j0 + b, b)
            for b in range(NBUF):
                wait_write(b)
                start_gather(j0 + NBUF + b, b)

        j0 = (ngroups - 1) * NBUF
        for b in range(NBUF):
            wait_gather(b)
            start_write(j0 + b, b)
        for b in range(NBUF):
            wait_write(b)

    return body(idx, table)


def kernel(time, emb_weight):
    B, H = time.shape
    V, D = emb_weight.shape
    total = B * H
    idx = time.reshape(NW, (total // NW) // CHUNK, CHUNK).astype(jnp.int32)
    out = _emb_lookup(idx, emb_weight, total, D, V)
    return out.reshape(B, H, D)

# --- scband reference (transcript-rebuilt; emitter-appended) ---
"""Pipeline reference for scband-time-embeddings-30451318128801 (READ-ONLY COPY).

The authoritative reference and input builder live on the scoring server;
editing this copy changes nothing except your own understanding.
"""

import jax, jax.numpy as jnp
import numpy as np

TIME_SIZE = 1000
EMBED_DIM = 128
BATCH = 4096
HIST = 200

def setup_inputs(seed: int = 0) -> dict:
    key = jax.random.key(seed)
    k_idx, k_w = jax.random.split(key)
    time = jax.random.randint(k_idx, (BATCH, HIST), 0, TIME_SIZE, dtype=jnp.int64 if jax.config.read('jax_enable_x64') else jnp.int32)
    emb_weight = jax.random.normal(k_w, (TIME_SIZE, EMBED_DIM), dtype=jnp.float32)
    return {"time": time, "emb_weight": emb_weight}

def reference(time, emb_weight):
    # nn.Embedding forward: gather rows of the table by index
    x = jnp.take(emb_weight, time, axis=0)
    return x

if __name__ == "__main__":
    import jax
    _d = setup_inputs()
    print(jax.jit(kernel)(*tuple(_d.values())))

</pallas_src>

<mosaic_0001>
#map = affine_map<(d0, d1) -> (0, 0, 0)>
#map1 = affine_map<(d0, d1) -> (0, 0)>
module attributes {stable_mosaic.version = 14 : i64} {
  func.func @body(%arg0: i32, %arg1: i32, %arg2: memref<32x400x64xi32, #tpu.memory_space<hbm>>, %arg3: memref<1000x128xf32, #tpu.memory_space<hbm>>, %arg4: memref<819200x128xf32, #tpu.memory_space<hbm>>, %arg5: memref<400x64xi32, #tpu.memory_space<vmem>>, %arg6: memref<8x64x128xf32, #tpu.memory_space<vmem>>, %arg7: memref<1000x128xf32, #tpu.memory_space<vmem_shared>>, %arg8: memref<!tpu.dma_semaphore, #tpu.memory_space<semaphore_mem>>, %arg9: memref<!tpu.dma_semaphore, #tpu.memory_space<semaphore_mem>>, %arg10: memref<!tpu.dma_semaphore, #tpu.memory_space<semaphore_mem>>, %arg11: memref<!tpu.dma_semaphore, #tpu.memory_space<semaphore_mem>>, %arg12: memref<!tpu.dma_semaphore, #tpu.memory_space<semaphore_mem>>, %arg13: memref<!tpu.dma_semaphore, #tpu.memory_space<semaphore_mem>>, %arg14: memref<!tpu.dma_semaphore, #tpu.memory_space<semaphore_mem>>, %arg15: memref<!tpu.dma_semaphore, #tpu.memory_space<semaphore_mem>>, %arg16: memref<!tpu.dma_semaphore, #tpu.memory_space<semaphore_mem>>, %arg17: memref<!tpu.dma_semaphore, #tpu.memory_space<semaphore_mem>>, %arg18: memref<!tpu.dma_semaphore, #tpu.memory_space<semaphore_mem>>, %arg19: memref<!tpu.dma_semaphore, #tpu.memory_space<semaphore_mem>>, %arg20: memref<!tpu.dma_semaphore, #tpu.memory_space<semaphore_mem>>, %arg21: memref<!tpu.dma_semaphore, #tpu.memory_space<semaphore_mem>>, %arg22: memref<!tpu.dma_semaphore, #tpu.memory_space<semaphore_mem>>, %arg23: memref<!tpu.dma_semaphore, #tpu.memory_space<semaphore_mem>>) attributes {dimension_semantics = [#tpu.dimension_semantics<core_parallel>, #tpu.dimension_semantics<subcore_parallel>], iteration_bounds = array<i64: 2, 16>, scalar_prefetch = 0 : i64, scratch_operands = 19 : i64, tpu.core_type = #tpu.core_type<sc_vector_subcore>, window_params = [{transform_indices = #map}, {transform_indices = #map1}, {transform_indices = #map1}]} {
    %mul3A = arith.constant 16 : i32
    %mul3A_0 = arith.muli %arg0, %mul3A : i32
    %add3A = arith.addi %mul3A_0, %arg1 : i32
    %mul3A_1 = arith.constant 25600 : i32
    %mul3A_2 = arith.muli %add3A, %mul3A_1 : i32
    %eq3A = arith.constant 0 : i32
    %eq3A_3 = arith.cmpi eq, %arg1, %eq3A : i32
    %convert_element_type3A = arith.extui %eq3A_3 : i1 to i32
    %cond3A = arith.constant 0 : i32
    %cond3A_4 = arith.cmpi ne, %convert_element_type3A, %cond3A : i32
    scf.if %cond3A_4 {
      "tpu.region"() ({
        %run_scoped3A = tpu.sem_alloc : memref<!tpu.dma_semaphore, #tpu.memory_space<semaphore_mem>>
        tpu.enqueue_dma source(%arg3 : memref<1000x128xf32, #tpu.memory_space<hbm>>) target(%arg7 : memref<1000x128xf32, #tpu.memory_space<vmem_shared>>) target_semaphore(%run_scoped3A : memref<!tpu.dma_semaphore, #tpu.memory_space<semaphore_mem>>)
        tpu.wait_dma2 semaphore(%run_scoped3A : memref<!tpu.dma_semaphore, #tpu.memory_space<semaphore_mem>>) src(%arg3 : memref<1000x128xf32, #tpu.memory_space<hbm>>) dst(%arg7 : memref<1000x128xf32, #tpu.memory_space<vmem_shared>>)
        tpu.yield
      }) : () -> ()
    } else {
    }
    "tpu.region"() ({
      %run_scoped3A = tpu.sem_alloc : memref<!tpu.dma_semaphore, #tpu.memory_space<semaphore_mem>>
      %dma_start3A_447 = arith.constant 0 : i32
      %dma_start3A_448 = arith.constant 0 : i32
      %dma_start3A_449 = tpu.memref_slice %arg2[%add3A, %dma_start3A_447, %dma_start3A_448] : memref<32x400x64xi32, #tpu.memory_space<hbm>> -> memref<1x400x64xi32, #tpu.memory_space<hbm>>
      %dma_start3A_450 = tpu.memref_squeeze %dma_start3A_449 : memref<1x400x64xi32, #tpu.memory_space<hbm>> -> memref<400x64xi32, #tpu.memory_space<hbm>>
      %dma_start3A_451 = arith.constant 0 : i32
      %dma_start3A_452 = arith.constant 0 : i32
      %dma_start3A_453 = tpu.memref_slice %arg2[%add3A, %dma_start3A_451, %dma_start3A_452] : memref<32x400x64xi32, #tpu.memory_space<hbm>> -> memref<1x400x64xi32, #tpu.memory_space<hbm>>
      %dma_start3A_454 = tpu.memref_squeeze %dma_start3A_453 : memref<1x400x64xi32, #tpu.memory_space<hbm>> -> memref<400x64xi32, #tpu.memory_space<hbm>>
      tpu.enqueue_dma source(%dma_start3A_454 : memref<400x64xi32, #tpu.memory_space<hbm>>) target(%arg5 : memref<400x64xi32, #tpu.memory_space<vmem>>) target_semaphore(%run_scoped3A : memref<!tpu.dma_semaphore, #tpu.memory_space<semaphore_mem>>)
      %dma_wait3A_455 = arith.constant 0 : i32
      %dma_wait3A_456 = arith.constant 0 : i32
      %dma_wait3A_457 = tpu.memref_slice %arg2[%add3A, %dma_wait3A_455, %dma_wait3A_456] : memref<32x400x64xi32, #tpu.memory_space<hbm>> -> memref<1x400x64xi32, #tpu.memory_space<hbm>>
      %dma_wait3A_458 = tpu.memref_squeeze %dma_wait3A_457 : memref<1x400x64xi32, #tpu.memory_space<hbm>> -> memref<400x64xi32, #tpu.memory_space<hbm>>
      %dma_wait3A_459 = arith.constant 0 : i32
      %dma_wait3A_460 = arith.constant 0 : i32
      %dma_wait3A_461 = tpu.memref_slice %arg2[%add3A, %dma_wait3A_459, %dma_wait3A_460] : memref<32x400x64xi32, #tpu.memory_space<hbm>> -> memref<1x400x64xi32, #tpu.memory_space<hbm>>
      %dma_wait3A_462 = tpu.memref_squeeze %dma_wait3A_461 : memref<1x400x64xi32, #tpu.memory_space<hbm>> -> memref<400x64xi32, #tpu.memory_space<hbm>>
      tpu.wait_dma2 semaphore(%run_scoped3A : memref<!tpu.dma_semaphore, #tpu.memory_space<semaphore_mem>>) src(%dma_wait3A_462 : memref<400x64xi32, #tpu.memory_space<hbm>>) dst(%arg5 : memref<400x64xi32, #tpu.memory_space<vmem>>)
      tpu.yield
    }) : () -> ()
    %barrier3A = arith.constant 0 : index
    tpu.barrier barrier_id(%barrier3A)
    %dma_start3A = arith.constant 0 : i32
    %dma_start3A_5 = arith.constant 0 : i32
    %dma_start3A_6 = arith.constant 0 : i32
    %dma_start3A_7 = arith.constant 0 : i32
    %dma_start3A_8 = tpu.memref_slice %arg6[%dma_start3A_5, %dma_start3A_6, %dma_start3A_7] : memref<8x64x128xf32, #tpu.memory_space<vmem>> -> memref<1x64x128xf32, #tpu.memory_space<vmem>>
    %dma_start3A_9 = tpu.memref_squeeze %dma_start3A_8 : memref<1x64x128xf32, #tpu.memory_space<vmem>> -> memref<64x128xf32, #tpu.memory_space<vmem>>
    %dma_start3A_10 = arith.constant 0 : i32
    %dma_start3A_11 = tpu.memref_slice %arg5[%dma_start3A, %dma_start3A_10] : memref<400x64xi32, #tpu.memory_space<vmem>> -> memref<1x64xi32, #tpu.memory_space<vmem>>
    %dma_start3A_12 = tpu.memref_squeeze %dma_start3A_11 : memref<1x64xi32, #tpu.memory_space<vmem>> -> memref<64xi32, #tpu.memory_space<vmem>>
    %dma_start3A_13 = arith.constant 0 : i32
    %dma_start3A_14 = arith.constant 0 : i32
    %dma_start3A_15 = tpu.memref_slice %arg7[%dma_start3A_13, %dma_start3A_14] : memref<1000x128xf32, #tpu.memory_space<vmem_shared>> -> memref<1000x128xf32, #tpu.memory_space<vmem_shared>>
    tpu.enqueue_indirect_dma source(%dma_start3A_15 : memref<1000x128xf32, #tpu.memory_space<vmem_shared>>) target(%dma_start3A_9 : memref<64x128xf32, #tpu.memory_space<vmem>>) offsets(%dma_start3A_12 : memref<64xi32, #tpu.memory_space<vmem>>) semaphore(%arg8 : memref<!tpu.dma_semaphore, #tpu.memory_space<semaphore_mem>>)
    %dma_start3A_16 = arith.constant 1 : i32
    %dma_start3A_17 = arith.constant 1 : i32
    %dma_start3A_18 = arith.constant 0 : i32
    %dma_start3A_19 = arith.constant 0 : i32
    %dma_start3A_20 = tpu.memref_slice %arg6[%dma_start3A_17, %dma_start3A_18, %dma_start3A_19] : memref<8x64x128xf32, #tpu.memory_space<vmem>> -> memref<1x64x128xf32, #tpu.memory_space<vmem>>
    %dma_start3A_21 = tpu.memref_squeeze %dma_start3A_20 : memref<1x64x128xf32, #tpu.memory_space<vmem>> -> memref<64x128xf32, #tpu.memory_space<vmem>>
    %dma_start3A_22 = arith.constant 0 : i32
    %dma_start3A_23 = tpu.memref_slice %arg5[%dma_start3A_16, %dma_start3A_22] : memref<400x64xi32, #tpu.memory_space<vmem>> -> memref<1x64xi32, #tpu.memory_space<vmem>>
    %dma_start3A_24 = tpu.memref_squeeze %dma_start3A_23 : memref<1x64xi32, #tpu.memory_space<vmem>> -> memref<64xi32, #tpu.memory_space<vmem>>
    %dma_start3A_25 = arith.constant 0 : i32
    %dma_start3A_26 = arith.constant 0 : i32
    %dma_start3A_27 = tpu.memref_slice %arg7[%dma_start3A_25, %dma_start3A_26] : memref<1000x128xf32, #tpu.memory_space<vmem_shared>> -> memref<1000x128xf32, #tpu.memory_space<vmem_shared>>
    tpu.enqueue_indirect_dma source(%dma_start3A_27 : memref<1000x128xf32, #tpu.memory_space<vmem_shared>>) target(%dma_start3A_21 : memref<64x128xf32, #tpu.memory_space<vmem>>) offsets(%dma_start3A_24 : memref<64xi32, #tpu.memory_space<vmem>>) semaphore(%arg9 : memref<!tpu.dma_semaphore, #tpu.memory_space<semaphore_mem>>)
    %dma_start3A_28 = arith.constant 2 : i32
    %dma_start3A_29 = arith.constant 2 : i32
    %dma_start3A_30 = arith.constant 0 : i32
    %dma_start3A_31 = arith.constant 0 : i32
    %dma_start3A_32 = tpu.memref_slice %arg6[%dma_start3A_29, %dma_start3A_30, %dma_start3A_31] : memref<8x64x128xf32, #tpu.memory_space<vmem>> -> memref<1x64x128xf32, #tpu.memory_space<vmem>>
    %dma_start3A_33 = tpu.memref_squeeze %dma_start3A_32 : memref<1x64x128xf32, #tpu.memory_space<vmem>> -> memref<64x128xf32, #tpu.memory_space<vmem>>
    %dma_start3A_34 = arith.constant 0 : i32
    %dma_start3A_35 = tpu.memref_slice %arg5[%dma_start3A_28, %dma_start3A_34] : memref<400x64xi32, #tpu.memory_space<vmem>> -> memref<1x64xi32, #tpu.memory_space<vmem>>
    %dma_start3A_36 = tpu.memref_squeeze %dma_start3A_35 : memref<1x64xi32, #tpu.memory_space<vmem>> -> memref<64xi32, #tpu.memory_space<vmem>>
    %dma_start3A_37 = arith.constant 0 : i32
    %dma_start3A_38 = arith.constant 0 : i32
    %dma_start3A_39 = tpu.memref_slice %arg7[%dma_start3A_37, %dma_start3A_38] : memref<1000x128xf32, #tpu.memory_space<vmem_shared>> -> memref<1000x128xf32, #tpu.memory_space<vmem_shared>>
    tpu.enqueue_indirect_dma source(%dma_start3A_39 : memref<1000x128xf32, #tpu.memory_space<vmem_shared>>) target(%dma_start3A_33 : memref<64x128xf32, #tpu.memory_space<vmem>>) offsets(%dma_start3A_36 : memref<64xi32, #tpu.memory_space<vmem>>) semaphore(%arg10 : memref<!tpu.dma_semaphore, #tpu.memory_space<semaphore_mem>>)
    %dma_start3A_40 = arith.constant 3 : i32
    %dma_start3A_41 = arith.constant 3 : i32
    %dma_start3A_42 = arith.constant 0 : i32
    %dma_start3A_43 = arith.constant 0 : i32
    %dma_start3A_44 = tpu.memref_slice %arg6[%dma_start3A_41, %dma_start3A_42, %dma_start3A_43] : memref<8x64x128xf32, #tpu.memory_space<vmem>> -> memref<1x64x128xf32, #tpu.memory_space<vmem>>
    %dma_start3A_45 = tpu.memref_squeeze %dma_start3A_44 : memref<1x64x128xf32, #tpu.memory_space<vmem>> -> memref<64x128xf32, #tpu.memory_space<vmem>>
    %dma_start3A_46 = arith.constant 0 : i32
    %dma_start3A_47 = tpu.memref_slice %arg5[%dma_start3A_40, %dma_start3A_46] : memref<400x64xi32, #tpu.memory_space<vmem>> -> memref<1x64xi32, #tpu.memory_space<vmem>>
    %dma_start3A_48 = tpu.memref_squeeze %dma_start3A_47 : memref<1x64xi32, #tpu.memory_space<vmem>> -> memref<64xi32, #tpu.memory_space<vmem>>
    %dma_start3A_49 = arith.constant 0 : i32
    %dma_start3A_50 = arith.constant 0 : i32
    %dma_start3A_51 = tpu.memref_slice %arg7[%dma_start3A_49, %dma_start3A_50] : memref<1000x128xf32, #tpu.memory_space<vmem_shared>> -> memref<1000x128xf32, #tpu.memory_space<vmem_shared>>
    tpu.enqueue_indirect_dma source(%dma_start3A_51 : memref<1000x128xf32, #tpu.memory_space<vmem_shared>>) target(%dma_start3A_45 : memref<64x128xf32, #tpu.memory_space<vmem>>) offsets(%dma_start3A_48 : memref<64xi32, #tpu.memory_space<vmem>>) semaphore(%arg11 : memref<!tpu.dma_semaphore, #tpu.memory_space<semaphore_mem>>)
    %dma_start3A_52 = arith.constant 4 : i32
    %dma_start3A_53 = arith.constant 4 : i32
    %dma_start3A_54 = arith.constant 0 : i32
    %dma_start3A_55 = arith.constant 0 : i32
    %dma_start3A_56 = tpu.memref_slice %arg6[%dma_start3A_53, %dma_start3A_54, %dma_start3A_55] : memref<8x64x128xf32, #tpu.memory_space<vmem>> -> memref<1x64x128xf32, #tpu.memory_space<vmem>>
    %dma_start3A_57 = tpu.memref_squeeze %dma_start3A_56 : memref<1x64x128xf32, #tpu.memory_space<vmem>> -> memref<64x128xf32, #tpu.memory_space<vmem>>
    %dma_start3A_58 = arith.constant 0 : i32
    %dma_start3A_59 = tpu.memref_slice %arg5[%dma_start3A_52, %dma_start3A_58] : memref<400x64xi32, #tpu.memory_space<vmem>> -> memref<1x64xi32, #tpu.memory_space<vmem>>
    %dma_start3A_60 = tpu.memref_squeeze %dma_start3A_59 : memref<1x64xi32, #tpu.memory_space<vmem>> -> memref<64xi32, #tpu.memory_space<vmem>>
    %dma_start3A_61 = arith.constant 0 : i32
    %dma_start3A_62 = arith.constant 0 : i32
    %dma_start3A_63 = tpu.memref_slice %arg7[%dma_start3A_61, %dma_start3A_62] : memref<1000x128xf32, #tpu.memory_space<vmem_shared>> -> memref<1000x128xf32, #tpu.memory_space<vmem_shared>>
    tpu.enqueue_indirect_dma source(%dma_start3A_63 : memref<1000x128xf32, #tpu.memory_space<vmem_shared>>) target(%dma_start3A_57 : memref<64x128xf32, #tpu.memory_space<vmem>>) offsets(%dma_start3A_60 : memref<64xi32, #tpu.memory_space<vmem>>) semaphore(%arg12 : memref<!tpu.dma_semaphore, #tpu.memory_space<semaphore_mem>>)
    %dma_start3A_64 = arith.constant 5 : i32
    %dma_start3A_65 = arith.constant 5 : i32
    %dma_start3A_66 = arith.constant 0 : i32
    %dma_start3A_67 = arith.constant 0 : i32
    %dma_start3A_68 = tpu.memref_slice %arg6[%dma_start3A_65, %dma_start3A_66, %dma_start3A_67] : memref<8x64x128xf32, #tpu.memory_space<vmem>> -> memref<1x64x128xf32, #tpu.memory_space<vmem>>
    %dma_start3A_69 = tpu.memref_squeeze %dma_start3A_68 : memref<1x64x128xf32, #tpu.memory_space<vmem>> -> memref<64x128xf32, #tpu.memory_space<vmem>>
    %dma_start3A_70 = arith.constant 0 : i32
    %dma_start3A_71 = tpu.memref_slice %arg5[%dma_start3A_64, %dma_start3A_70] : memref<400x64xi32, #tpu.memory_space<vmem>> -> memref<1x64xi32, #tpu.memory_space<vmem>>
    %dma_start3A_72 = tpu.memref_squeeze %dma_start3A_71 : memref<1x64xi32, #tpu.memory_space<vmem>> -> memref<64xi32, #tpu.memory_space<vmem>>
    %dma_start3A_73 = arith.constant 0 : i32
    %dma_start3A_74 = arith.constant 0 : i32
    %dma_start3A_75 = tpu.memref_slice %arg7[%dma_start3A_73, %dma_start3A_74] : memref<1000x128xf32, #tpu.memory_space<vmem_shared>> -> memref<1000x128xf32, #tpu.memory_space<vmem_shared>>
    tpu.enqueue_indirect_dma source(%dma_start3A_75 : memref<1000x128xf32, #tpu.memory_space<vmem_shared>>) target(%dma_start3A_69 : memref<64x128xf32, #tpu.memory_space<vmem>>) offsets(%dma_start3A_72 : memref<64xi32, #tpu.memory_space<vmem>>) semaphore(%arg13 : memref<!tpu.dma_semaphore, #tpu.memory_space<semaphore_mem>>)
    %dma_start3A_76 = arith.constant 6 : i32
    %dma_start3A_77 = arith.constant 6 : i32
    %dma_start3A_78 = arith.constant 0 : i32
    %dma_start3A_79 = arith.constant 0 : i32
    %dma_start3A_80 = tpu.memref_slice %arg6[%dma_start3A_77, %dma_start3A_78, %dma_start3A_79] : memref<8x64x128xf32, #tpu.memory_space<vmem>> -> memref<1x64x128xf32, #tpu.memory_space<vmem>>
    %dma_start3A_81 = tpu.memref_squeeze %dma_start3A_80 : memref<1x64x128xf32, #tpu.memory_space<vmem>> -> memref<64x128xf32, #tpu.memory_space<vmem>>
    %dma_start3A_82 = arith.constant 0 : i32
    %dma_start3A_83 = tpu.memref_slice %arg5[%dma_start3A_76, %dma_start3A_82] : memref<400x64xi32, #tpu.memory_space<vmem>> -> memref<1x64xi32, #tpu.memory_space<vmem>>
    %dma_start3A_84 = tpu.memref_squeeze %dma_start3A_83 : memref<1x64xi32, #tpu.memory_space<vmem>> -> memref<64xi32, #tpu.memory_space<vmem>>
    %dma_start3A_85 = arith.constant 0 : i32
    %dma_start3A_86 = arith.constant 0 : i32
    %dma_start3A_87 = tpu.memref_slice %arg7[%dma_start3A_85, %dma_start3A_86] : memref<1000x128xf32, #tpu.memory_space<vmem_shared>> -> memref<1000x128xf32, #tpu.memory_space<vmem_shared>>
    tpu.enqueue_indirect_dma source(%dma_start3A_87 : memref<1000x128xf32, #tpu.memory_space<vmem_shared>>) target(%dma_start3A_81 : memref<64x128xf32, #tpu.memory_space<vmem>>) offsets(%dma_start3A_84 : memref<64xi32, #tpu.memory_space<vmem>>) semaphore(%arg14 : memref<!tpu.dma_semaphore, #tpu.memory_space<semaphore_mem>>)
    %dma_start3A_88 = arith.constant 7 : i32
    %dma_start3A_89 = arith.constant 7 : i32
    %dma_start3A_90 = arith.constant 0 : i32
    %dma_start3A_91 = arith.constant 0 : i32
    %dma_start3A_92 = tpu.memref_slice %arg6[%dma_start3A_89, %dma_start3A_90, %dma_start3A_91] : memref<8x64x128xf32, #tpu.memory_space<vmem>> -> memref<1x64x128xf32, #tpu.memory_space<vmem>>
    %dma_start3A_93 = tpu.memref_squeeze %dma_start3A_92 : memref<1x64x128xf32, #tpu.memory_space<vmem>> -> memref<64x128xf32, #tpu.memory_space<vmem>>
    %dma_start3A_94 = arith.constant 0 : i32
    %dma_start3A_95 = tpu.memref_slice %arg5[%dma_start3A_88, %dma_start3A_94] : memref<400x64xi32, #tpu.memory_space<vmem>> -> memref<1x64xi32, #tpu.memory_space<vmem>>
    %dma_start3A_96 = tpu.memref_squeeze %dma_start3A_95 : memref<1x64xi32, #tpu.memory_space<vmem>> -> memref<64xi32, #tpu.memory_space<vmem>>
    %dma_start3A_97 = arith.constant 0 : i32
    %dma_start3A_98 = arith.constant 0 : i32
    %dma_start3A_99 = tpu.memref_slice %arg7[%dma_start3A_97, %dma_start3A_98] : memref<1000x128xf32, #tpu.memory_space<vmem_shared>> -> memref<1000x128xf32, #tpu.memory_space<vmem_shared>>
    tpu.enqueue_indirect_dma source(%dma_start3A_99 : memref<1000x128xf32, #tpu.memory_space<vmem_shared>>) target(%dma_start3A_93 : memref<64x128xf32, #tpu.memory_space<vmem>>) offsets(%dma_start3A_96 : memref<64xi32, #tpu.memory_space<vmem>>) semaphore(%arg15 : memref<!tpu.dma_semaphore, #tpu.memory_space<semaphore_mem>>)
    %scan3A = arith.constant 0 : i32
    %scan3A_100 = arith.constant 49 : i32
    %scan3A_101 = arith.addi %scan3A, %scan3A_100 : i32
    %scan3A_102 = arith.constant 1 : i32
    scf.for %scan3A_447 = %scan3A to %scan3A_101 step %scan3A_102  : i32 {
      %mul3A_448 = arith.constant 1 : i32
      %mul3A_449 = arith.muli %scan3A_447, %mul3A_448 : i32
      %add3A_450 = arith.constant 0 : i32
      %add3A_451 = arith.addi %add3A_450, %mul3A_449 : i32
      %mul3A_452 = arith.constant 8 : i32
      %mul3A_453 = arith.muli %add3A_451, %mul3A_452 : i32
      %dma_wait3A_454 = arith.constant 0 : i32
      %dma_wait3A_455 = arith.constant 0 : i32
      %dma_wait3A_456 = arith.constant 0 : i32
      %dma_wait3A_457 = tpu.memref_slice %arg6[%dma_wait3A_454, %dma_wait3A_455, %dma_wait3A_456] : memref<8x64x128xf32, #tpu.memory_space<vmem>> -> memref<1x64x128xf32, #tpu.memory_space<vmem>>
      %dma_wait3A_458 = tpu.memref_squeeze %dma_wait3A_457 : memref<1x64x128xf32, #tpu.memory_space<vmem>> -> memref<64x128xf32, #tpu.memory_space<vmem>>
      %dma_wait3A_459 = arith.constant 0 : i32
      %dma_wait3A_460 = arith.constant 0 : i32
      %dma_wait3A_461 = tpu.memref_slice %arg7[%dma_wait3A_459, %dma_wait3A_460] : memref<1000x128xf32, #tpu.memory_space<vmem_shared>> -> memref<64x128xf32, #tpu.memory_space<vmem_shared>>
      %dma_wait3A_462 = arith.constant 0 : i32
      %dma_wait3A_463 = arith.constant 0 : i32
      %dma_wait3A_464 = tpu.memref_slice %arg6[%dma_wait3A_454, %dma_wait3A_462, %dma_wait3A_463] : memref<8x64x128xf32, #tpu.memory_space<vmem>> -> memref<1x64x128xf32, #tpu.memory_space<vmem>>
      %dma_wait3A_465 = tpu.memref_squeeze %dma_wait3A_464 : memref<1x64x128xf32, #tpu.memory_space<vmem>> -> memref<64x128xf32, #tpu.memory_space<vmem>>
      %dma_wait3A_466 = arith.constant 0 : i32
      %dma_wait3A_467 = arith.constant 0 : i32
      %dma_wait3A_468 = tpu.memref_slice %arg7[%dma_wait3A_466, %dma_wait3A_467] : memref<1000x128xf32, #tpu.memory_space<vmem_shared>> -> memref<64x128xf32, #tpu.memory_space<vmem_shared>>
      tpu.wait_dma2 semaphore(%arg8 : memref<!tpu.dma_semaphore, #tpu.memory_space<semaphore_mem>>) src(%dma_wait3A_468 : memref<64x128xf32, #tpu.memory_space<vmem_shared>>) dst(%dma_wait3A_465 : memref<64x128xf32, #tpu.memory_space<vmem>>)
      %add3A_469 = arith.constant 0 : i32
      %add3A_470 = arith.addi %mul3A_453, %add3A_469 : i32
      %mul3A_471 = arith.constant 64 : i32
      %mul3A_472 = arith.muli %add3A_470, %mul3A_471 : i32
      %add3A_473 = arith.addi %mul3A_2, %mul3A_472 : i32
      %dma_start3A_474 = arith.constant 0 : i32
      %dma_start3A_475 = arith.constant 0 : i32
      %dma_start3A_476 = arith.constant 0 : i32
      %dma_start3A_477 = tpu.memref_slice %arg6[%dma_start3A_474, %dma_start3A_475, %dma_start3A_476] : memref<8x64x128xf32, #tpu.memory_space<vmem>> -> memref<1x64x128xf32, #tpu.memory_space<vmem>>
      %dma_start3A_478 = tpu.memref_squeeze %dma_start3A_477 : memref<1x64x128xf32, #tpu.memory_space<vmem>> -> memref<64x128xf32, #tpu.memory_space<vmem>>
      %dma_start3A_479 = arith.constant 0 : i32
      %dma_start3A_480 = tpu.memref_slice %arg4[%add3A_473, %dma_start3A_479] : memref<819200x128xf32, #tpu.memory_space<hbm>> -> memref<64x128xf32, #tpu.memory_space<hbm>>
      %dma_start3A_481 = arith.constant 0 : i32
      %dma_start3A_482 = tpu.memref_slice %arg4[%add3A_473, %dma_start3A_481] : memref<819200x128xf32, #tpu.memory_space<hbm>> -> memref<64x128xf32, #tpu.memory_space<hbm>>
      %dma_start3A_483 = arith.constant 0 : i32
      %dma_start3A_484 = arith.constant 0 : i32
      %dma_start3A_485 = tpu.memref_slice %arg6[%dma_start3A_474, %dma_start3A_483, %dma_start3A_484] : memref<8x64x128xf32, #tpu.memory_space<vmem>> -> memref<1x64x128xf32, #tpu.memory_space<vmem>>
      %dma_start3A_486 = tpu.memref_squeeze %dma_start3A_485 : memref<1x64x128xf32, #tpu.memory_space<vmem>> -> memref<64x128xf32, #tpu.memory_space<vmem>>
      tpu.enqueue_dma source(%dma_start3A_486 : memref<64x128xf32, #tpu.memory_space<vmem>>) target(%dma_start3A_482 : memref<64x128xf32, #tpu.memory_space<hbm>>) target_semaphore(%arg16 : memref<!tpu.dma_semaphore, #tpu.memory_space<semaphore_mem>>)
      %dma_wait3A_487 = arith.constant 1 : i32
      %dma_wait3A_488 = arith.constant 0 : i32
      %dma_wait3A_489 = arith.constant 0 : i32
      %dma_wait3A_490 = tpu.memref_slice %arg6[%dma_wait3A_487, %dma_wait3A_488, %dma_wait3A_489] : memref<8x64x128xf32, #tpu.memory_space<vmem>> -> memref<1x64x128xf32, #tpu.memory_space<vmem>>
      %dma_wait3A_491 = tpu.memref_squeeze %dma_wait3A_490 : memref<1x64x128xf32, #tpu.memory_space<vmem>> -> memref<64x128xf32, #tpu.memory_space<vmem>>
      %dma_wait3A_492 = arith.constant 0 : i32
      %dma_wait3A_493 = arith.constant 0 : i32
      %dma_wait3A_494 = tpu.memref_slice %arg7[%dma_wait3A_492, %dma_wait3A_493] : memref<1000x128xf32, #tpu.memory_space<vmem_shared>> -> memref<64x128xf32, #tpu.memory_space<vmem_shared>>
      %dma_wait3A_495 = arith.constant 0 : i32
      %dma_wait3A_496 = arith.constant 0 : i32
      %dma_wait3A_497 = tpu.memref_slice %arg6[%dma_wait3A_487, %dma_wait3A_495, %dma_wait3A_496] : memref<8x64x128xf32, #tpu.memory_space<vmem>> -> memref<1x64x128xf32, #tpu.memory_space<vmem>>
      %dma_wait3A_498 = tpu.memref_squeeze %dma_wait3A_497 : memref<1x64x128xf32, #tpu.memory_space<vmem>> -> memref<64x128xf32, #tpu.memory_space<vmem>>
      %dma_wait3A_499 = arith.constant 0 : i32
      %dma_wait3A_500 = arith.constant 0 : i32
      %dma_wait3A_501 = tpu.memref_slice %arg7[%dma_wait3A_499, %dma_wait3A_500] : memref<1000x128xf32, #tpu.memory_space<vmem_shared>> -> memref<64x128xf32, #tpu.memory_space<vmem_shared>>
      tpu.wait_dma2 semaphore(%arg9 : memref<!tpu.dma_semaphore, #tpu.memory_space<semaphore_mem>>) src(%dma_wait3A_501 : memref<64x128xf32, #tpu.memory_space<vmem_shared>>) dst(%dma_wait3A_498 : memref<64x128xf32, #tpu.memory_space<vmem>>)
      %add3A_502 = arith.constant 1 : i32
      %add3A_503 = arith.addi %mul3A_453, %add3A_502 : i32
      %mul3A_504 = arith.constant 64 : i32
      %mul3A_505 = arith.muli %add3A_503, %mul3A_504 : i32
      %add3A_506 = arith.addi %mul3A_2, %mul3A_505 : i32
      %dma_start3A_507 = arith.constant 1 : i32
      %dma_start3A_508 = arith.constant 0 : i32
      %dma_start3A_509 = arith.constant 0 : i32
      %dma_start3A_510 = tpu.memref_slice %arg6[%dma_start3A_507, %dma_start3A_508, %dma_start3A_509] : memref<8x64x128xf32, #tpu.memory_space<vmem>> -> memref<1x64x128xf32, #tpu.memory_space<vmem>>
      %dma_start3A_511 = tpu.memref_squeeze %dma_start3A_510 : memref<1x64x128xf32, #tpu.memory_space<vmem>> -> memref<64x128xf32, #tpu.memory_space<vmem>>
      %dma_start3A_512 = arith.constant 0 : i32
      %dma_start3A_513 = tpu.memref_slice %arg4[%add3A_506, %dma_start3A_512] : memref<819200x128xf32, #tpu.memory_space<hbm>> -> memref<64x128xf32, #tpu.memory_space<hbm>>
      %dma_start3A_514 = arith.constant 0 : i32
      %dma_start3A_515 = tpu.memref_slice %arg4[%add3A_506, %dma_start3A_514] : memref<819200x128xf32, #tpu.memory_space<hbm>> -> memref<64x128xf32, #tpu.memory_space<hbm>>
      %dma_start3A_516 = arith.constant 0 : i32
      %dma_start3A_517 = arith.constant 0 : i32
      %dma_start3A_518 = tpu.memref_slice %arg6[%dma_start3A_507, %dma_start3A_516, %dma_start3A_517] : memref<8x64x128xf32, #tpu.memory_space<vmem>> -> memref<1x64x128xf32, #tpu.memory_space<vmem>>
      %dma_start3A_519 = tpu.memref_squeeze %dma_start3A_518 : memref<1x64x128xf32, #tpu.memory_space<vmem>> -> memref<64x128xf32, #tpu.memory_space<vmem>>
      tpu.enqueue_dma source(%dma_start3A_519 : memref<64x128xf32, #tpu.memory_space<vmem>>) target(%dma_start3A_515 : memref<64x128xf32, #tpu.memory_space<hbm>>) target_semaphore(%arg17 : memref<!tpu.dma_semaphore, #tpu.memory_space<semaphore_mem>>)
      %dma_wait3A_520 = arith.constant 2 : i32
      %dma_wait3A_521 = arith.constant 0 : i32
      %dma_wait3A_522 = arith.constant 0 : i32
      %dma_wait3A_523 = tpu.memref_slice %arg6[%dma_wait3A_520, %dma_wait3A_521, %dma_wait3A_522] : memref<8x64x128xf32, #tpu.memory_space<vmem>> -> memref<1x64x128xf32, #tpu.memory_space<vmem>>
      %dma_wait3A_524 = tpu.memref_squeeze %dma_wait3A_523 : memref<1x64x128xf32, #tpu.memory_space<vmem>> -> memref<64x128xf32, #tpu.memory_space<vmem>>
      %dma_wait3A_525 = arith.constant 0 : i32
      %dma_wait3A_526 = arith.constant 0 : i32
      %dma_wait3A_527 = tpu.memref_slice %arg7[%dma_wait3A_525, %dma_wait3A_526] : memref<1000x128xf32, #tpu.memory_space<vmem_shared>> -> memref<64x128xf32, #tpu.memory_space<vmem_shared>>
      %dma_wait3A_528 = arith.constant 0 : i32
      %dma_wait3A_529 = arith.constant 0 : i32
      %dma_wait3A_530 = tpu.memref_slice %arg6[%dma_wait3A_520, %dma_wait3A_528, %dma_wait3A_529] : memref<8x64x128xf32, #tpu.memory_space<vmem>> -> memref<1x64x128xf32, #tpu.memory_space<vmem>>
      %dma_wait3A_531 = tpu.memref_squeeze %dma_wait3A_530 : memref<1x64x128xf32, #tpu.memory_space<vmem>> -> memref<64x128xf32, #tpu.memory_space<vmem>>
      %dma_wait3A_532 = arith.constant 0 : i32
      %dma_wait3A_533 = arith.constant 0 : i32
      %dma_wait3A_534 = tpu.memref_slice %arg7[%dma_wait3A_532, %dma_wait3A_533] : memref<1000x128xf32, #tpu.memory_space<vmem_shared>> -> memref<64x128xf32, #tpu.memory_space<vmem_shared>>
      tpu.wait_dma2 semaphore(%arg10 : memref<!tpu.dma_semaphore, #tpu.memory_space<semaphore_mem>>) src(%dma_wait3A_534 : memref<64x128xf32, #tpu.memory_space<vmem_shared>>) dst(%dma_wait3A_531 : memref<64x128xf32, #tpu.memory_space<vmem>>)
      %add3A_535 = arith.constant 2 : i32
      %add3A_536 = arith.addi %mul3A_453, %add3A_535 : i32
      %mul3A_537 = arith.constant 64 : i32
      %mul3A_538 = arith.muli %add3A_536, %mul3A_537 : i32
      %add3A_539 = arith.addi %mul3A_2, %mul3A_538 : i32
      %dma_start3A_540 = arith.constant 2 : i32
      %dma_start3A_541 = arith.constant 0 : i32
      %dma_start3A_542 = arith.constant 0 : i32
      %dma_start3A_543 = tpu.memref_slice %arg6[%dma_start3A_540, %dma_start3A_541, %dma_start3A_542] : memref<8x64x128xf32, #tpu.memory_space<vmem>> -> memref<1x64x128xf32, #tpu.memory_space<vmem>>
      %dma_start3A_544 = tpu.memref_squeeze %dma_start3A_543 : memref<1x64x128xf32, #tpu.memory_space<vmem>> -> memref<64x128xf32, #tpu.memory_space<vmem>>
      %dma_start3A_545 = arith.constant 0 : i32
      %dma_start3A_546 = tpu.memref_slice %arg4[%add3A_539, %dma_start3A_545] : memref<819200x128xf32, #tpu.memory_space<hbm>> -> memref<64x128xf32, #tpu.memory_space<hbm>>
      %dma_start3A_547 = arith.constant 0 : i32
      %dma_start3A_548 = tpu.memref_slice %arg4[%add3A_539, %dma_start3A_547] : memref<819200x128xf32, #tpu.memory_space<hbm>> -> memref<64x128xf32, #tpu.memory_space<hbm>>
      %dma_start3A_549 = arith.constant 0 : i32
      %dma_start3A_550 = arith.constant 0 : i32
      %dma_start3A_551 = tpu.memref_slice %arg6[%dma_start3A_540, %dma_start3A_549, %dma_start3A_550] : memref<8x64x128xf32, #tpu.memory_space<vmem>> -> memref<1x64x128xf32, #tpu.memory_space<vmem>>
      %dma_start3A_552 = tpu.memref_squeeze %dma_start3A_551 : memref<1x64x128xf32, #tpu.memory_space<vmem>> -> memref<64x128xf32, #tpu.memory_space<vmem>>
      tpu.enqueue_dma source(%dma_start3A_552 : memref<64x128xf32, #tpu.memory_space<vmem>>) target(%dma_start3A_548 : memref<64x128xf32, #tpu.memory_space<hbm>>) target_semaphore(%arg18 : memref<!tpu.dma_semaphore, #tpu.memory_space<semaphore_mem>>)
      %dma_wait3A_553 = arith.constant 3 : i32
      %dma_wait3A_554 = arith.constant 0 : i32
      %dma_wait3A_555 = arith.constant 0 : i32
      %dma_wait3A_556 = tpu.memref_slice %arg6[%dma_wait3A_553, %dma_wait3A_554, %dma_wait3A_555] : memref<8x64x128xf32, #tpu.memory_space<vmem>> -> memref<1x64x128xf32, #tpu.memory_space<vmem>>
      %dma_wait3A_557 = tpu.memref_squeeze %dma_wait3A_556 : memref<1x64x128xf32, #tpu.memory_space<vmem>> -> memref<64x128xf32, #tpu.memory_space<vmem>>
      %dma_wait3A_558 = arith.constant 0 : i32
      %dma_wait3A_559 = arith.constant 0 : i32
      %dma_wait3A_560 = tpu.memref_slice %arg7[%dma_wait3A_558, %dma_wait3A_559] : memref<1000x128xf32, #tpu.memory_space<vmem_shared>> -> memref<64x128xf32, #tpu.memory_space<vmem_shared>>
      %dma_wait3A_561 = arith.constant 0 : i32
      %dma_wait3A_562 = arith.constant 0 : i32
      %dma_wait3A_563 = tpu.memref_slice %arg6[%dma_wait3A_553, %dma_wait3A_561, %dma_wait3A_562] : memref<8x64x128xf32, #tpu.memory_space<vmem>> -> memref<1x64x128xf32, #tpu.memory_space<vmem>>
      %dma_wait3A_564 = tpu.memref_squeeze %dma_wait3A_563 : memref<1x64x128xf32, #tpu.memory_space<vmem>> -> memref<64x128xf32, #tpu.memory_space<vmem>>
      %dma_wait3A_565 = arith.constant 0 : i32
      %dma_wait3A_566 = arith.constant 0 : i32
      %dma_wait3A_567 = tpu.memref_slice %arg7[%dma_wait3A_565, %dma_wait3A_566] : memref<1000x128xf32, #tpu.memory_space<vmem_shared>> -> memref<64x128xf32, #tpu.memory_space<vmem_shared>>
      tpu.wait_dma2 semaphore(%arg11 : memref<!tpu.dma_semaphore, #tpu.memory_space<semaphore_mem>>) src(%dma_wait3A_567 : memref<64x128xf32, #tpu.memory_space<vmem_shared>>) dst(%dma_wait3A_564 : memref<64x128xf32, #tpu.memory_space<vmem>>)
      %add3A_568 = arith.constant 3 : i32
      %add3A_569 = arith.addi %mul3A_453, %add3A_568 : i32
      %mul3A_570 = arith.constant 64 : i32
      %mul3A_571 = arith.muli %add3A_569, %mul3A_570 : i32
      %add3A_572 = arith.addi %mul3A_2, %mul3A_571 : i32
      %dma_start3A_573 = arith.constant 3 : i32
      %dma_start3A_574 = arith.constant 0 : i32
      %dma_start3A_575 = arith.constant 0 : i32
      %dma_start3A_576 = tpu.memref_slice %arg6[%dma_start3A_573, %dma_start3A_574, %dma_start3A_575] : memref<8x64x128xf32, #tpu.memory_space<vmem>> -> memref<1x64x128xf32, #tpu.memory_space<vmem>>
      %dma_start3A_577 = tpu.memref_squeeze %dma_start3A_576 : memref<1x64x128xf32, #tpu.memory_space<vmem>> -> memref<64x128xf32, #tpu.memory_space<vmem>>
      %dma_start3A_578 = arith.constant 0 : i32
      %dma_start3A_579 = tpu.memref_slice %arg4[%add3A_572, %dma_start3A_578] : memref<819200x128xf32, #tpu.memory_space<hbm>> -> memref<64x128xf32, #tpu.memory_space<hbm>>
      %dma_start3A_580 = arith.constant 0 : i32
      %dma_start3A_581 = tpu.memref_slice %arg4[%add3A_572, %dma_start3A_580] : memref<819200x128xf32, #tpu.memory_space<hbm>> -> memref<64x128xf32, #tpu.memory_space<hbm>>
      %dma_start3A_582 = arith.constant 0 : i32
      %dma_start3A_583 = arith.constant 0 : i32
      %dma_start3A_584 = tpu.memref_slice %arg6[%dma_start3A_573, %dma_start3A_582, %dma_start3A_583] : memref<8x64x128xf32, #tpu.memory_space<vmem>> -> memref<1x64x128xf32, #tpu.memory_space<vmem>>
      %dma_start3A_585 = tpu.memref_squeeze %dma_start3A_584 : memref<1x64x128xf32, #tpu.memory_space<vmem>> -> memref<64x128xf32, #tpu.memory_space<vmem>>
      tpu.enqueue_dma source(%dma_start3A_585 : memref<64x128xf32, #tpu.memory_space<vmem>>) target(%dma_start3A_581 : memref<64x128xf32, #tpu.memory_space<hbm>>) target_semaphore(%arg19 : memref<!tpu.dma_semaphore, #tpu.memory_space<semaphore_mem>>)
      %dma_wait3A_586 = arith.constant 4 : i32
      %dma_wait3A_587 = arith.constant 0 : i32
      %dma_wait3A_588 = arith.constant 0 : i32
      %dma_wait3A_589 = tpu.memref_slice %arg6[%dma_wait3A_586, %dma_wait3A_587, %dma_wait3A_588] : memref<8x64x128xf32, #tpu.memory_space<vmem>> -> memref<1x64x128xf32, #tpu.memory_space<vmem>>
      %dma_wait3A_590 = tpu.memref_squeeze %dma_wait3A_589 : memref<1x64x128xf32, #tpu.memory_space<vmem>> -> memref<64x128xf32, #tpu.memory_space<vmem>>
      %dma_wait3A_591 = arith.constant 0 : i32
      %dma_wait3A_592 = arith.constant 0 : i32
      %dma_wait3A_593 = tpu.memref_slice %arg7[%dma_wait3A_591, %dma_wait3A_592] : memref<1000x128xf32, #tpu.memory_space<vmem_shared>> -> memref<64x128xf32, #tpu.memory_space<vmem_shared>>
      %dma_wait3A_594 = arith.constant 0 : i32
      %dma_wait3A_595 = arith.constant 0 : i32
      %dma_wait3A_596 = tpu.memref_slice %arg6[%dma_wait3A_586, %dma_wait3A_594, %dma_wait3A_595] : memref<8x64x128xf32, #tpu.memory_space<vmem>> -> memref<1x64x128xf32, #tpu.memory_space<vmem>>
      %dma_wait3A_597 = tpu.memref_squeeze %dma_wait3A_596 : memref<1x64x128xf32, #tpu.memory_space<vmem>> -> memref<64x128xf32, #tpu.memory_space<vmem>>
      %dma_wait3A_598 = arith.constant 0 : i32
      %dma_wait3A_599 = arith.constant 0 : i32
      %dma_wait3A_600 = tpu.memref_slice %arg7[%dma_wait3A_598, %dma_wait3A_599] : memref<1000x128xf32, #tpu.memory_space<vmem_shared>> -> memref<64x128xf32, #tpu.memory_space<vmem_shared>>
      tpu.wait_dma2 semaphore(%arg12 : memref<!tpu.dma_semaphore, #tpu.memory_space<semaphore_mem>>) src(%dma_wait3A_600 : memref<64x128xf32, #tpu.memory_space<vmem_shared>>) dst(%dma_wait3A_597 : memref<64x128xf32, #tpu.memory_space<vmem>>)
      %add3A_601 = arith.constant 4 : i32
      %add3A_602 = arith.addi %mul3A_453, %add3A_601 : i32
      %mul3A_603 = arith.constant 64 : i32
      %mul3A_604 = arith.muli %add3A_602, %mul3A_603 : i32
      %add3A_605 = arith.addi %mul3A_2, %mul3A_604 : i32
      %dma_start3A_606 = arith.constant 4 : i32
      %dma_start3A_607 = arith.constant 0 : i32
      %dma_start3A_608 = arith.constant 0 : i32
      %dma_start3A_609 = tpu.memref_slice %arg6[%dma_start3A_606, %dma_start3A_607, %dma_start3A_608] : memref<8x64x128xf32, #tpu.memory_space<vmem>> -> memref<1x64x128xf32, #tpu.memory_space<vmem>>
      %dma_start3A_610 = tpu.memref_squeeze %dma_start3A_609 : memref<1x64x128xf32, #tpu.memory_space<vmem>> -> memref<64x128xf32, #tpu.memory_space<vmem>>
      %dma_start3A_611 = arith.constant 0 : i32
      %dma_start3A_612 = tpu.memref_slice %arg4[%add3A_605, %dma_start3A_611] : memref<819200x128xf32, #tpu.memory_space<hbm>> -> memref<64x128xf32, #tpu.memory_space<hbm>>
      %dma_start3A_613 = arith.constant 0 : i32
      %dma_start3A_614 = tpu.memref_slice %arg4[%add3A_605, %dma_start3A_613] : memref<819200x128xf32, #tpu.memory_space<hbm>> -> memref<64x128xf32, #tpu.memory_space<hbm>>
      %dma_start3A_615 = arith.constant 0 : i32
      %dma_start3A_616 = arith.constant 0 : i32
      %dma_start3A_617 = tpu.memref_slice %arg6[%dma_start3A_606, %dma_start3A_615, %dma_start3A_616] : memref<8x64x128xf32, #tpu.memory_space<vmem>> -> memref<1x64x128xf32, #tpu.memory_space<vmem>>
      %dma_start3A_618 = tpu.memref_squeeze %dma_start3A_617 : memref<1x64x128xf32, #tpu.memory_space<vmem>> -> memref<64x128xf32, #tpu.memory_space<vmem>>
      tpu.enqueue_dma source(%dma_start3A_618 : memref<64x128xf32, #tpu.memory_space<vmem>>) target(%dma_start3A_614 : memref<64x128xf32, #tpu.memory_space<hbm>>) target_semaphore(%arg20 : memref<!tpu.dma_semaphore, #tpu.memory_space<semaphore_mem>>)
      %dma_wait3A_619 = arith.constant 5 : i32
      %dma_wait3A_620 = arith.constant 0 : i32
      %dma_wait3A_621 = arith.constant 0 : i32
      %dma_wait3A_622 = tpu.memref_slice %arg6[%dma_wait3A_619, %dma_wait3A_620, %dma_wait3A_621] : memref<8x64x128xf32, #tpu.memory_space<vmem>> -> memref<1x64x128xf32, #tpu.memory_space<vmem>>
      %dma_wait3A_623 = tpu.memref_squeeze %dma_wait3A_622 : memref<1x64x128xf32, #tpu.memory_space<vmem>> -> memref<64x128xf32, #tpu.memory_space<vmem>>
      %dma_wait3A_624 = arith.constant 0 : i32
      %dma_wait3A_625 = arith.constant 0 : i32
      %dma_wait3A_626 = tpu.memref_slice %arg7[%dma_wait3A_624, %dma_wait3A_625] : memref<1000x128xf32, #tpu.memory_space<vmem_shared>> -> memref<64x128xf32, #tpu.memory_space<vmem_shared>>
      %dma_wait3A_627 = arith.constant 0 : i32
      %dma_wait3A_628 = arith.constant 0 : i32
      %dma_wait3A_629 = tpu.memref_slice %arg6[%dma_wait3A_619, %dma_wait3A_627, %dma_wait3A_628] : memref<8x64x128xf32, #tpu.memory_space<vmem>> -> memref<1x64x128xf32, #tpu.memory_space<vmem>>
      %dma_wait3A_630 = tpu.memref_squeeze %dma_wait3A_629 : memref<1x64x128xf32, #tpu.memory_space<vmem>> -> memref<64x128xf32, #tpu.memory_space<vmem>>
      %dma_wait3A_631 = arith.constant 0 : i32
      %dma_wait3A_632 = arith.constant 0 : i32
      %dma_wait3A_633 = tpu.memref_slice %arg7[%dma_wait3A_631, %dma_wait3A_632] : memref<1000x128xf32, #tpu.memory_space<vmem_shared>> -> memref<64x128xf32, #tpu.memory_space<vmem_shared>>
      tpu.wait_dma2 semaphore(%arg13 : memref<!tpu.dma_semaphore, #tpu.memory_space<semaphore_mem>>) src(%dma_wait3A_633 : memref<64x128xf32, #tpu.memory_space<vmem_shared>>) dst(%dma_wait3A_630 : memref<64x128xf32, #tpu.memory_space<vmem>>)
      %add3A_634 = arith.constant 5 : i32
      %add3A_635 = arith.addi %mul3A_453, %add3A_634 : i32
      %mul3A_636 = arith.constant 64 : i32
      %mul3A_637 = arith.muli %add3A_635, %mul3A_636 : i32
      %add3A_638 = arith.addi %mul3A_2, %mul3A_637 : i32
      %dma_start3A_639 = arith.constant 5 : i32
      %dma_start3A_640 = arith.constant 0 : i32
      %dma_start3A_641 = arith.constant 0 : i32
      %dma_start3A_642 = tpu.memref_slice %arg6[%dma_start3A_639, %dma_start3A_640, %dma_start3A_641] : memref<8x64x128xf32, #tpu.memory_space<vmem>> -> memref<1x64x128xf32, #tpu.memory_space<vmem>>
      %dma_start3A_643 = tpu.memref_squeeze %dma_start3A_642 : memref<1x64x128xf32, #tpu.memory_space<vmem>> -> memref<64x128xf32, #tpu.memory_space<vmem>>
      %dma_start3A_644 = arith.constant 0 : i32
      %dma_start3A_645 = tpu.memref_slice %arg4[%add3A_638, %dma_start3A_644] : memref<819200x128xf32, #tpu.memory_space<hbm>> -> memref<64x128xf32, #tpu.memory_space<hbm>>
      %dma_start3A_646 = arith.constant 0 : i32
      %dma_start3A_647 = tpu.memref_slice %arg4[%add3A_638, %dma_start3A_646] : memref<819200x128xf32, #tpu.memory_space<hbm>> -> memref<64x128xf32, #tpu.memory_space<hbm>>
      %dma_start3A_648 = arith.constant 0 : i32
      %dma_start3A_649 = arith.constant 0 : i32
      %dma_start3A_650 = tpu.memref_slice %arg6[%dma_start3A_639, %dma_start3A_648, %dma_start3A_649] : memref<8x64x128xf32, #tpu.memory_space<vmem>> -> memref<1x64x128xf32, #tpu.memory_space<vmem>>
      %dma_start3A_651 = tpu.memref_squeeze %dma_start3A_650 : memref<1x64x128xf32, #tpu.memory_space<vmem>> -> memref<64x128xf32, #tpu.memory_space<vmem>>
      tpu.enqueue_dma source(%dma_start3A_651 : memref<64x128xf32, #tpu.memory_space<vmem>>) target(%dma_start3A_647 : memref<64x128xf32, #tpu.memory_space<hbm>>) target_semaphore(%arg21 : memref<!tpu.dma_semaphore, #tpu.memory_space<semaphore_mem>>)
      %dma_wait3A_652 = arith.constant 6 : i32
      %dma_wait3A_653 = arith.constant 0 : i32
      %dma_wait3A_654 = arith.constant 0 : i32
      %dma_wait3A_655 = tpu.memref_slice %arg6[%dma_wait3A_652, %dma_wait3A_653, %dma_wait3A_654] : memref<8x64x128xf32, #tpu.memory_space<vmem>> -> memref<1x64x128xf32, #tpu.memory_space<vmem>>
      %dma_wait3A_656 = tpu.memref_squeeze %dma_wait3A_655 : memref<1x64x128xf32, #tpu.memory_space<vmem>> -> memref<64x128xf32, #tpu.memory_space<vmem>>
      %dma_wait3A_657 = arith.constant 0 : i32
      %dma_wait3A_658 = arith.constant 0 : i32
      %dma_wait3A_659 = tpu.memref_slice %arg7[%dma_wait3A_657, %dma_wait3A_658] : memref<1000x128xf32, #tpu.memory_space<vmem_shared>> -> memref<64x128xf32, #tpu.memory_space<vmem_shared>>
      %dma_wait3A_660 = arith.constant 0 : i32
      %dma_wait3A_661 = arith.constant 0 : i32
      %dma_wait3A_662 = tpu.memref_slice %arg6[%dma_wait3A_652, %dma_wait3A_660, %dma_wait3A_661] : memref<8x64x128xf32, #tpu.memory_space<vmem>> -> memref<1x64x128xf32, #tpu.memory_space<vmem>>
      %dma_wait3A_663 = tpu.memref_squeeze %dma_wait3A_662 : memref<1x64x128xf32, #tpu.memory_space<vmem>> -> memref<64x128xf32, #tpu.memory_space<vmem>>
      %dma_wait3A_664 = arith.constant 0 : i32
      %dma_wait3A_665 = arith.constant 0 : i32
      %dma_wait3A_666 = tpu.memref_slice %arg7[%dma_wait3A_664, %dma_wait3A_665] : memref<1000x128xf32, #tpu.memory_space<vmem_shared>> -> memref<64x128xf32, #tpu.memory_space<vmem_shared>>
      tpu.wait_dma2 semaphore(%arg14 : memref<!tpu.dma_semaphore, #tpu.memory_space<semaphore_mem>>) src(%dma_wait3A_666 : memref<64x128xf32, #tpu.memory_space<vmem_shared>>) dst(%dma_wait3A_663 : memref<64x128xf32, #tpu.memory_space<vmem>>)
      %add3A_667 = arith.constant 6 : i32
      %add3A_668 = arith.addi %mul3A_453, %add3A_667 : i32
      %mul3A_669 = arith.constant 64 : i32
      %mul3A_670 = arith.muli %add3A_668, %mul3A_669 : i32
      %add3A_671 = arith.addi %mul3A_2, %mul3A_670 : i32
      %dma_start3A_672 = arith.constant 6 : i32
      %dma_start3A_673 = arith.constant 0 : i32
      %dma_start3A_674 = arith.constant 0 : i32
      %dma_start3A_675 = tpu.memref_slice %arg6[%dma_start3A_672, %dma_start3A_673, %dma_start3A_674] : memref<8x64x128xf32, #tpu.memory_space<vmem>> -> memref<1x64x128xf32, #tpu.memory_space<vmem>>
      %dma_start3A_676 = tpu.memref_squeeze %dma_start3A_675 : memref<1x64x128xf32, #tpu.memory_space<vmem>> -> memref<64x128xf32, #tpu.memory_space<vmem>>
      %dma_start3A_677 = arith.constant 0 : i32
      %dma_start3A_678 = tpu.memref_slice %arg4[%add3A_671, %dma_start3A_677] : memref<819200x128xf32, #tpu.memory_space<hbm>> -> memref<64x128xf32, #tpu.memory_space<hbm>>
      %dma_start3A_679 = arith.constant 0 : i32
      %dma_start3A_680 = tpu.memref_slice %arg4[%add3A_671, %dma_start3A_679] : memref<819200x128xf32, #tpu.memory_space<hbm>> -> memref<64x128xf32, #tpu.memory_space<hbm>>
      %dma_start3A_681 = arith.constant 0 : i32
      %dma_start3A_682 = arith.constant 0 : i32
      %dma_start3A_683 = tpu.memref_slice %arg6[%dma_start3A_672, %dma_start3A_681, %dma_start3A_682] : memref<8x64x128xf32, #tpu.memory_space<vmem>> -> memref<1x64x128xf32, #tpu.memory_space<vmem>>
      %dma_start3A_684 = tpu.memref_squeeze %dma_start3A_683 : memref<1x64x128xf32, #tpu.memory_space<vmem>> -> memref<64x128xf32, #tpu.memory_space<vmem>>
      tpu.enqueue_dma source(%dma_start3A_684 : memref<64x128xf32, #tpu.memory_space<vmem>>) target(%dma_start3A_680 : memref<64x128xf32, #tpu.memory_space<hbm>>) target_semaphore(%arg22 : memref<!tpu.dma_semaphore, #tpu.memory_space<semaphore_mem>>)
      %dma_wait3A_685 = arith.constant 7 : i32
      %dma_wait3A_686 = arith.constant 0 : i32
      %dma_wait3A_687 = arith.constant 0 : i32
      %dma_wait3A_688 = tpu.memref_slice %arg6[%dma_wait3A_685, %dma_wait3A_686, %dma_wait3A_687] : memref<8x64x128xf32, #tpu.memory_space<vmem>> -> memref<1x64x128xf32, #tpu.memory_space<vmem>>
      %dma_wait3A_689 = tpu.memref_squeeze %dma_wait3A_688 : memref<1x64x128xf32, #tpu.memory_space<vmem>> -> memref<64x128xf32, #tpu.memory_space<vmem>>
      %dma_wait3A_690 = arith.constant 0 : i32
      %dma_wait3A_691 = arith.constant 0 : i32
      %dma_wait3A_692 = tpu.memref_slice %arg7[%dma_wait3A_690, %dma_wait3A_691] : memref<1000x128xf32, #tpu.memory_space<vmem_shared>> -> memref<64x128xf32, #tpu.memory_space<vmem_shared>>
      %dma_wait3A_693 = arith.constant 0 : i32
      %dma_wait3A_694 = arith.constant 0 : i32
      %dma_wait3A_695 = tpu.memref_slice %arg6[%dma_wait3A_685, %dma_wait3A_693, %dma_wait3A_694] : memref<8x64x128xf32, #tpu.memory_space<vmem>> -> memref<1x64x128xf32, #tpu.memory_space<vmem>>
      %dma_wait3A_696 = tpu.memref_squeeze %dma_wait3A_695 : memref<1x64x128xf32, #tpu.memory_space<vmem>> -> memref<64x128xf32, #tpu.memory_space<vmem>>
      %dma_wait3A_697 = arith.constant 0 : i32
      %dma_wait3A_698 = arith.constant 0 : i32
      %dma_wait3A_699 = tpu.memref_slice %arg7[%dma_wait3A_697, %dma_wait3A_698] : memref<1000x128xf32, #tpu.memory_space<vmem_shared>> -> memref<64x128xf32, #tpu.memory_space<vmem_shared>>
      tpu.wait_dma2 semaphore(%arg15 : memref<!tpu.dma_semaphore, #tpu.memory_space<semaphore_mem>>) src(%dma_wait3A_699 : memref<64x128xf32, #tpu.memory_space<vmem_shared>>) dst(%dma_wait3A_696 : memref<64x128xf32, #tpu.memory_space<vmem>>)
      %add3A_700 = arith.constant 7 : i32
      %add3A_701 = arith.addi %mul3A_453, %add3A_700 : i32
      %mul3A_702 = arith.constant 64 : i32
      %mul3A_703 = arith.muli %add3A_701, %mul3A_702 : i32
      %add3A_704 = arith.addi %mul3A_2, %mul3A_703 : i32
      %dma_start3A_705 = arith.constant 7 : i32
      %dma_start3A_706 = arith.constant 0 : i32
      %dma_start3A_707 = arith.constant 0 : i32
      %dma_start3A_708 = tpu.memref_slice %arg6[%dma_start3A_705, %dma_start3A_706, %dma_start3A_707] : memref<8x64x128xf32, #tpu.memory_space<vmem>> -> memref<1x64x128xf32, #tpu.memory_space<vmem>>
      %dma_start3A_709 = tpu.memref_squeeze %dma_start3A_708 : memref<1x64x128xf32, #tpu.memory_space<vmem>> -> memref<64x128xf32, #tpu.memory_space<vmem>>
      %dma_start3A_710 = arith.constant 0 : i32
      %dma_start3A_711 = tpu.memref_slice %arg4[%add3A_704, %dma_start3A_710] : memref<819200x128xf32, #tpu.memory_space<hbm>> -> memref<64x128xf32, #tpu.memory_space<hbm>>
      %dma_start3A_712 = arith.constant 0 : i32
      %dma_start3A_713 = tpu.memref_slice %arg4[%add3A_704, %dma_start3A_712] : memref<819200x128xf32, #tpu.memory_space<hbm>> -> memref<64x128xf32, #tpu.memory_space<hbm>>
      %dma_start3A_714 = arith.constant 0 : i32
      %dma_start3A_715 = arith.constant 0 : i32
      %dma_start3A_716 = tpu.memref_slice %arg6[%dma_start3A_705, %dma_start3A_714, %dma_start3A_715] : memref<8x64x128xf32, #tpu.memory_space<vmem>> -> memref<1x64x128xf32, #tpu.memory_space<vmem>>
      %dma_start3A_717 = tpu.memref_squeeze %dma_start3A_716 : memref<1x64x128xf32, #tpu.memory_space<vmem>> -> memref<64x128xf32, #tpu.memory_space<vmem>>
      tpu.enqueue_dma source(%dma_start3A_717 : memref<64x128xf32, #tpu.memory_space<vmem>>) target(%dma_start3A_713 : memref<64x128xf32, #tpu.memory_space<hbm>>) target_semaphore(%arg23 : memref<!tpu.dma_semaphore, #tpu.memory_space<semaphore_mem>>)
      %dma_wait3A_718 = arith.constant 0 : i32
      %dma_wait3A_719 = arith.constant 0 : i32
      %dma_wait3A_720 = arith.constant 0 : i32
      %dma_wait3A_721 = tpu.memref_slice %arg6[%dma_wait3A_718, %dma_wait3A_719, %dma_wait3A_720] : memref<8x64x128xf32, #tpu.memory_space<vmem>> -> memref<1x64x128xf32, #tpu.memory_space<vmem>>
      %dma_wait3A_722 = tpu.memref_squeeze %dma_wait3A_721 : memref<1x64x128xf32, #tpu.memory_space<vmem>> -> memref<64x128xf32, #tpu.memory_space<vmem>>
      %dma_wait3A_723 = arith.constant 0 : i32
      %dma_wait3A_724 = tpu.memref_slice %arg4[%mul3A_2, %dma_wait3A_723] : memref<819200x128xf32, #tpu.memory_space<hbm>> -> memref<64x128xf32, #tpu.memory_space<hbm>>
      %dma_wait3A_725 = arith.constant 0 : i32
      %dma_wait3A_726 = tpu.memref_slice %arg4[%mul3A_2, %dma_wait3A_725] : memref<819200x128xf32, #tpu.memory_space<hbm>> -> memref<64x128xf32, #tpu.memory_space<hbm>>
      %dma_wait3A_727 = arith.constant 0 : i32
      %dma_wait3A_728 = arith.constant 0 : i32
      %dma_wait3A_729 = tpu.memref_slice %arg6[%dma_wait3A_718, %dma_wait3A_727, %dma_wait3A_728] : memref<8x64x128xf32, #tpu.memory_space<vmem>> -> memref<1x64x128xf32, #tpu.memory_space<vmem>>
      %dma_wait3A_730 = tpu.memref_squeeze %dma_wait3A_729 : memref<1x64x128xf32, #tpu.memory_space<vmem>> -> memref<64x128xf32, #tpu.memory_space<vmem>>
      tpu.wait_dma2 semaphore(%arg16 : memref<!tpu.dma_semaphore, #tpu.memory_space<semaphore_mem>>) src(%dma_wait3A_730 : memref<64x128xf32, #tpu.memory_space<vmem>>) dst(%dma_wait3A_726 : memref<64x128xf32, #tpu.memory_space<hbm>>)
      %add3A_731 = arith.constant 8 : i32
      %add3A_732 = arith.addi %mul3A_453, %add3A_731 : i32
      %add3A_733 = arith.constant 0 : i32
      %add3A_734 = arith.addi %add3A_732, %add3A_733 : i32
      %dma_start3A_735 = arith.constant 0 : i32
      %dma_start3A_736 = arith.constant 0 : i32
      %dma_start3A_737 = arith.constant 0 : i32
      %dma_start3A_738 = tpu.memref_slice %arg6[%dma_start3A_735, %dma_start3A_736, %dma_start3A_737] : memref<8x64x128xf32, #tpu.memory_space<vmem>> -> memref<1x64x128xf32, #tpu.memory_space<vmem>>
      %dma_start3A_739 = tpu.memref_squeeze %dma_start3A_738 : memref<1x64x128xf32, #tpu.memory_space<vmem>> -> memref<64x128xf32, #tpu.memory_space<vmem>>
      %dma_start3A_740 = arith.constant 0 : i32
      %dma_start3A_741 = tpu.memref_slice %arg5[%add3A_734, %dma_start3A_740] : memref<400x64xi32, #tpu.memory_space<vmem>> -> memref<1x64xi32, #tpu.memory_space<vmem>>
      %dma_start3A_742 = tpu.memref_squeeze %dma_start3A_741 : memref<1x64xi32, #tpu.memory_space<vmem>> -> memref<64xi32, #tpu.memory_space<vmem>>
      %dma_start3A_743 = arith.constant 0 : i32
      %dma_start3A_744 = arith.constant 0 : i32
      %dma_start3A_745 = tpu.memref_slice %arg7[%dma_start3A_743, %dma_start3A_744] : memref<1000x128xf32, #tpu.memory_space<vmem_shared>> -> memref<1000x128xf32, #tpu.memory_space<vmem_shared>>
      tpu.enqueue_indirect_dma source(%dma_start3A_745 : memref<1000x128xf32, #tpu.memory_space<vmem_shared>>) target(%dma_start3A_739 : memref<64x128xf32, #tpu.memory_space<vmem>>) offsets(%dma_start3A_742 : memref<64xi32, #tpu.memory_space<vmem>>) semaphore(%arg8 : memref<!tpu.dma_semaphore, #tpu.memory_space<semaphore_mem>>)
      %dma_wait3A_746 = arith.constant 1 : i32
      %dma_wait3A_747 = arith.constant 0 : i32
      %dma_wait3A_748 = arith.constant 0 : i32
      %dma_wait3A_749 = tpu.memref_slice %arg6[%dma_wait3A_746, %dma_wait3A_747, %dma_wait3A_748] : memref<8x64x128xf32, #tpu.memory_space<vmem>> -> memref<1x64x128xf32, #tpu.memory_space<vmem>>
      %dma_wait3A_750 = tpu.memref_squeeze %dma_wait3A_749 : memref<1x64x128xf32, #tpu.memory_space<vmem>> -> memref<64x128xf32, #tpu.memory_space<vmem>>
      %dma_wait3A_751 = arith.constant 0 : i32
      %dma_wait3A_752 = tpu.memref_slice %arg4[%mul3A_2, %dma_wait3A_751] : memref<819200x128xf32, #tpu.memory_space<hbm>> -> memref<64x128xf32, #tpu.memory_space<hbm>>
      %dma_wait3A_753 = arith.constant 0 : i32
      %dma_wait3A_754 = tpu.memref_slice %arg4[%mul3A_2, %dma_wait3A_753] : memref<819200x128xf32, #tpu.memory_space<hbm>> -> memref<64x128xf32, #tpu.memory_space<hbm>>
      %dma_wait3A_755 = arith.constant 0 : i32
      %dma_wait3A_756 = arith.constant 0 : i32
      %dma_wait3A_757 = tpu.memref_slice %arg6[%dma_wait3A_746, %dma_wait3A_755, %dma_wait3A_756] : memref<8x64x128xf32, #tpu.memory_space<vmem>> -> memref<1x64x128xf32, #tpu.memory_space<vmem>>
      %dma_wait3A_758 = tpu.memref_squeeze %dma_wait3A_757 : memref<1x64x128xf32, #tpu.memory_space<vmem>> -> memref<64x128xf32, #tpu.memory_space<vmem>>
      tpu.wait_dma2 semaphore(%arg17 : memref<!tpu.dma_semaphore, #tpu.memory_space<semaphore_mem>>) src(%dma_wait3A_758 : memref<64x128xf32, #tpu.memory_space<vmem>>) dst(%dma_wait3A_754 : memref<64x128xf32, #tpu.memory_space<hbm>>)
      %add3A_759 = arith.constant 8 : i32
      %add3A_760 = arith.addi %mul3A_453, %add3A_759 : i32
      %add3A_761 = arith.constant 1 : i32
      %add3A_762 = arith.addi %add3A_760, %add3A_761 : i32
      %dma_start3A_763 = arith.constant 1 : i32
      %dma_start3A_764 = arith.constant 0 : i32
      %dma_start3A_765 = arith.constant 0 : i32
      %dma_start3A_766 = tpu.memref_slice %arg6[%dma_start3A_763, %dma_start3A_764, %dma_start3A_765] : memref<8x64x128xf32, #tpu.memory_space<vmem>> -> memref<1x64x128xf32, #tpu.memory_space<vmem>>
      %dma_start3A_767 = tpu.memref_squeeze %dma_start3A_766 : memref<1x64x128xf32, #tpu.memory_space<vmem>> -> memref<64x128xf32, #tpu.memory_space<vmem>>
      %dma_start3A_768 = arith.constant 0 : i32
      %dma_start3A_769 = tpu.memref_slice %arg5[%add3A_762, %dma_start3A_768] : memref<400x64xi32, #tpu.memory_space<vmem>> -> memref<1x64xi32, #tpu.memory_space<vmem>>
      %dma_start3A_770 = tpu.memref_squeeze %dma_start3A_769 : memref<1x64xi32, #tpu.memory_space<vmem>> -> memref<64xi32, #tpu.memory_space<vmem>>
      %dma_start3A_771 = arith.constant 0 : i32
      %dma_start3A_772 = arith.constant 0 : i32
      %dma_start3A_773 = tpu.memref_slice %arg7[%dma_start3A_771, %dma_start3A_772] : memref<1000x128xf32, #tpu.memory_space<vmem_shared>> -> memref<1000x128xf32, #tpu.memory_space<vmem_shared>>
      tpu.enqueue_indirect_dma source(%dma_start3A_773 : memref<1000x128xf32, #tpu.memory_space<vmem_shared>>) target(%dma_start3A_767 : memref<64x128xf32, #tpu.memory_space<vmem>>) offsets(%dma_start3A_770 : memref<64xi32, #tpu.memory_space<vmem>>) semaphore(%arg9 : memref<!tpu.dma_semaphore, #tpu.memory_space<semaphore_mem>>)
      %dma_wait3A_774 = arith.constant 2 : i32
      %dma_wait3A_775 = arith.constant 0 : i32
      %dma_wait3A_776 = arith.constant 0 : i32
      %dma_wait3A_777 = tpu.memref_slice %arg6[%dma_wait3A_774, %dma_wait3A_775, %dma_wait3A_776] : memref<8x64x128xf32, #tpu.memory_space<vmem>> -> memref<1x64x128xf32, #tpu.memory_space<vmem>>
      %dma_wait3A_778 = tpu.memref_squeeze %dma_wait3A_777 : memref<1x64x128xf32, #tpu.memory_space<vmem>> -> memref<64x128xf32, #tpu.memory_space<vmem>>
      %dma_wait3A_779 = arith.constant 0 : i32
      %dma_wait3A_780 = tpu.memref_slice %arg4[%mul3A_2, %dma_wait3A_779] : memref<819200x128xf32, #tpu.memory_space<hbm>> -> memref<64x128xf32, #tpu.memory_space<hbm>>
      %dma_wait3A_781 = arith.constant 0 : i32
      %dma_wait3A_782 = tpu.memref_slice %arg4[%mul3A_2, %dma_wait3A_781] : memref<819200x128xf32, #tpu.memory_space<hbm>> -> memref<64x128xf32, #tpu.memory_space<hbm>>
      %dma_wait3A_783 = arith.constant 0 : i32
      %dma_wait3A_784 = arith.constant 0 : i32
      %dma_wait3A_785 = tpu.memref_slice %arg6[%dma_wait3A_774, %dma_wait3A_783, %dma_wait3A_784] : memref<8x64x128xf32, #tpu.memory_space<vmem>> -> memref<1x64x128xf32, #tpu.memory_space<vmem>>
      %dma_wait3A_786 = tpu.memref_squeeze %dma_wait3A_785 : memref<1x64x128xf32, #tpu.memory_space<vmem>> -> memref<64x128xf32, #tpu.memory_space<vmem>>
      tpu.wait_dma2 semaphore(%arg18 : memref<!tpu.dma_semaphore, #tpu.memory_space<semaphore_mem>>) src(%dma_wait3A_786 : memref<64x128xf32, #tpu.memory_space<vmem>>) dst(%dma_wait3A_782 : memref<64x128xf32, #tpu.memory_space<hbm>>)
      %add3A_787 = arith.constant 8 : i32
      %add3A_788 = arith.addi %mul3A_453, %add3A_787 : i32
      %add3A_789 = arith.constant 2 : i32
      %add3A_790 = arith.addi %add3A_788, %add3A_789 : i32
      %dma_start3A_791 = arith.constant 2 : i32
      %dma_start3A_792 = arith.constant 0 : i32
      %dma_start3A_793 = arith.constant 0 : i32
      %dma_start3A_794 = tpu.memref_slice %arg6[%dma_start3A_791, %dma_start3A_792, %dma_start3A_793] : memref<8x64x128xf32, #tpu.memory_space<vmem>> -> memref<1x64x128xf32, #tpu.memory_space<vmem>>
      %dma_start3A_795 = tpu.memref_squeeze %dma_start3A_794 : memref<1x64x128xf32, #tpu.memory_space<vmem>> -> memref<64x128xf32, #tpu.memory_space<vmem>>
      %dma_start3A_796 = arith.constant 0 : i32
      %dma_start3A_797 = tpu.memref_slice %arg5[%add3A_790, %dma_start3A_796] : memref<400x64xi32, #tpu.memory_space<vmem>> -> memref<1x64xi32, #tpu.memory_space<vmem>>
      %dma_start3A_798 = tpu.memref_squeeze %dma_start3A_797 : memref<1x64xi32, #tpu.memory_space<vmem>> -> memref<64xi32, #tpu.memory_space<vmem>>
      %dma_start3A_799 = arith.constant 0 : i32
      %dma_start3A_800 = arith.constant 0 : i32
      %dma_start3A_801 = tpu.memref_slice %arg7[%dma_start3A_799, %dma_start3A_800] : memref<1000x128xf32, #tpu.memory_space<vmem_shared>> -> memref<1000x128xf32, #tpu.memory_space<vmem_shared>>
      tpu.enqueue_indirect_dma source(%dma_start3A_801 : memref<1000x128xf32, #tpu.memory_space<vmem_shared>>) target(%dma_start3A_795 : memref<64x128xf32, #tpu.memory_space<vmem>>) offsets(%dma_start3A_798 : memref<64xi32, #tpu.memory_space<vmem>>) semaphore(%arg10 : memref<!tpu.dma_semaphore, #tpu.memory_space<semaphore_mem>>)
      %dma_wait3A_802 = arith.constant 3 : i32
      %dma_wait3A_803 = arith.constant 0 : i32
      %dma_wait3A_804 = arith.constant 0 : i32
      %dma_wait3A_805 = tpu.memref_slice %arg6[%dma_wait3A_802, %dma_wait3A_803, %dma_wait3A_804] : memref<8x64x128xf32, #tpu.memory_space<vmem>> -> memref<1x64x128xf32, #tpu.memory_space<vmem>>
      %dma_wait3A_806 = tpu.memref_squeeze %dma_wait3A_805 : memref<1x64x128xf32, #tpu.memory_space<vmem>> -> memref<64x128xf32, #tpu.memory_space<vmem>>
      %dma_wait3A_807 = arith.constant 0 : i32
      %dma_wait3A_808 = tpu.memref_slice %arg4[%mul3A_2, %dma_wait3A_807] : memref<819200x128xf32, #tpu.memory_space<hbm>> -> memref<64x128xf32, #tpu.memory_space<hbm>>
      %dma_wait3A_809 = arith.constant 0 : i32
      %dma_wait3A_810 = tpu.memref_slice %arg4[%mul3A_2, %dma_wait3A_809] : memref<819200x128xf32, #tpu.memory_space<hbm>> -> memref<64x128xf32, #tpu.memory_space<hbm>>
      %dma_wait3A_811 = arith.constant 0 : i32
      %dma_wait3A_812 = arith.constant 0 : i32
      %dma_wait3A_813 = tpu.memref_slice %arg6[%dma_wait3A_802, %dma_wait3A_811, %dma_wait3A_812] : memref<8x64x128xf32, #tpu.memory_space<vmem>> -> memref<1x64x128xf32, #tpu.memory_space<vmem>>
      %dma_wait3A_814 = tpu.memref_squeeze %dma_wait3A_813 : memref<1x64x128xf32, #tpu.memory_space<vmem>> -> memref<64x128xf32, #tpu.memory_space<vmem>>
      tpu.wait_dma2 semaphore(%arg19 : memref<!tpu.dma_semaphore, #tpu.memory_space<semaphore_mem>>) src(%dma_wait3A_814 : memref<64x128xf32, #tpu.memory_space<vmem>>) dst(%dma_wait3A_810 : memref<64x128xf32, #tpu.memory_space<hbm>>)
      %add3A_815 = arith.constant 8 : i32
      %add3A_816 = arith.addi %mul3A_453, %add3A_815 : i32
      %add3A_817 = arith.constant 3 : i32
      %add3A_818 = arith.addi %add3A_816, %add3A_817 : i32
      %dma_start3A_819 = arith.constant 3 : i32
      %dma_start3A_820 = arith.constant 0 : i32
      %dma_start3A_821 = arith.constant 0 : i32
      %dma_start3A_822 = tpu.memref_slice %arg6[%dma_start3A_819, %dma_start3A_820, %dma_start3A_821] : memref<8x64x128xf32, #tpu.memory_space<vmem>> -> memref<1x64x128xf32, #tpu.memory_space<vmem>>
      %dma_start3A_823 = tpu.memref_squeeze %dma_start3A_822 : memref<1x64x128xf32, #tpu.memory_space<vmem>> -> memref<64x128xf32, #tpu.memory_space<vmem>>
      %dma_start3A_824 = arith.constant 0 : i32
      %dma_start3A_825 = tpu.memref_slice %arg5[%add3A_818, %dma_start3A_824] : memref<400x64xi32, #tpu.memory_space<vmem>> -> memref<1x64xi32, #tpu.memory_space<vmem>>
      %dma_start3A_826 = tpu.memref_squeeze %dma_start3A_825 : memref<1x64xi32, #tpu.memory_space<vmem>> -> memref<64xi32, #tpu.memory_space<vmem>>
      %dma_start3A_827 = arith.constant 0 : i32
      %dma_start3A_828 = arith.constant 0 : i32
      %dma_start3A_829 = tpu.memref_slice %arg7[%dma_start3A_827, %dma_start3A_828] : memref<1000x128xf32, #tpu.memory_space<vmem_shared>> -> memref<1000x128xf32, #tpu.memory_space<vmem_shared>>
      tpu.enqueue_indirect_dma source(%dma_start3A_829 : memref<1000x128xf32, #tpu.memory_space<vmem_shared>>) target(%dma_start3A_823 : memref<64x128xf32, #tpu.memory_space<vmem>>) offsets(%dma_start3A_826 : memref<64xi32, #tpu.memory_space<vmem>>) semaphore(%arg11 : memref<!tpu.dma_semaphore, #tpu.memory_space<semaphore_mem>>)
      %dma_wait3A_830 = arith.constant 4 : i32
      %dma_wait3A_831 = arith.constant 0 : i32
      %dma_wait3A_832 = arith.constant 0 : i32
      %dma_wait3A_833 = tpu.memref_slice %arg6[%dma_wait3A_830, %dma_wait3A_831, %dma_wait3A_832] : memref<8x64x128xf32, #tpu.memory_space<vmem>> -> memref<1x64x128xf32, #tpu.memory_space<vmem>>
      %dma_wait3A_834 = tpu.memref_squeeze %dma_wait3A_833 : memref<1x64x128xf32, #tpu.memory_space<vmem>> -> memref<64x128xf32, #tpu.memory_space<vmem>>
      %dma_wait3A_835 = arith.constant 0 : i32
      %dma_wait3A_836 = tpu.memref_slice %arg4[%mul3A_2, %dma_wait3A_835] : memref<819200x128xf32, #tpu.memory_space<hbm>> -> memref<64x128xf32, #tpu.memory_space<hbm>>
      %dma_wait3A_837 = arith.constant 0 : i32
      %dma_wait3A_838 = tpu.memref_slice %arg4[%mul3A_2, %dma_wait3A_837] : memref<819200x128xf32, #tpu.memory_space<hbm>> -> memref<64x128xf32, #tpu.memory_space<hbm>>
      %dma_wait3A_839 = arith.constant 0 : i32
      %dma_wait3A_840 = arith.constant 0 : i32
      %dma_wait3A_841 = tpu.memref_slice %arg6[%dma_wait3A_830, %dma_wait3A_839, %dma_wait3A_840] : memref<8x64x128xf32, #tpu.memory_space<vmem>> -> memref<1x64x128xf32, #tpu.memory_space<vmem>>
      %dma_wait3A_842 = tpu.memref_squeeze %dma_wait3A_841 : memref<1x64x128xf32, #tpu.memory_space<vmem>> -> memref<64x128xf32, #tpu.memory_space<vmem>>
      tpu.wait_dma2 semaphore(%arg20 : memref<!tpu.dma_semaphore, #tpu.memory_space<semaphore_mem>>) src(%dma_wait3A_842 : memref<64x128xf32, #tpu.memory_space<vmem>>) dst(%dma_wait3A_838 : memref<64x128xf32, #tpu.memory_space<hbm>>)
      %add3A_843 = arith.constant 8 : i32
      %add3A_844 = arith.addi %mul3A_453, %add3A_843 : i32
      %add3A_845 = arith.constant 4 : i32
      %add3A_846 = arith.addi %add3A_844, %add3A_845 : i32
      %dma_start3A_847 = arith.constant 4 : i32
      %dma_start3A_848 = arith.constant 0 : i32
      %dma_start3A_849 = arith.constant 0 : i32
      %dma_start3A_850 = tpu.memref_slice %arg6[%dma_start3A_847, %dma_start3A_848, %dma_start3A_849] : memref<8x64x128xf32, #tpu.memory_space<vmem>> -> memref<1x64x128xf32, #tpu.memory_space<vmem>>
      %dma_start3A_851 = tpu.memref_squeeze %dma_start3A_850 : memref<1x64x128xf32, #tpu.memory_space<vmem>> -> memref<64x128xf32, #tpu.memory_space<vmem>>
      %dma_start3A_852 = arith.constant 0 : i32
      %dma_start3A_853 = tpu.memref_slice %arg5[%add3A_846, %dma_start3A_852] : memref<400x64xi32, #tpu.memory_space<vmem>> -> memref<1x64xi32, #tpu.memory_space<vmem>>
      %dma_start3A_854 = tpu.memref_squeeze %dma_start3A_853 : memref<1x64xi32, #tpu.memory_space<vmem>> -> memref<64xi32, #tpu.memory_space<vmem>>
      %dma_start3A_855 = arith.constant 0 : i32
      %dma_start3A_856 = arith.constant 0 : i32
      %dma_start3A_857 = tpu.memref_slice %arg7[%dma_start3A_855, %dma_start3A_856] : memref<1000x128xf32, #tpu.memory_space<vmem_shared>> -> memref<1000x128xf32, #tpu.memory_space<vmem_shared>>
      tpu.enqueue_indirect_dma source(%dma_start3A_857 : memref<1000x128xf32, #tpu.memory_space<vmem_shared>>) target(%dma_start3A_851 : memref<64x128xf32, #tpu.memory_space<vmem>>) offsets(%dma_start3A_854 : memref<64xi32, #tpu.memory_space<vmem>>) semaphore(%arg12 : memref<!tpu.dma_semaphore, #tpu.memory_space<semaphore_mem>>)
      %dma_wait3A_858 = arith.constant 5 : i32
      %dma_wait3A_859 = arith.constant 0 : i32
      %dma_wait3A_860 = arith.constant 0 : i32
      %dma_wait3A_861 = tpu.memref_slice %arg6[%dma_wait3A_858, %dma_wait3A_859, %dma_wait3A_860] : memref<8x64x128xf32, #tpu.memory_space<vmem>> -> memref<1x64x128xf32, #tpu.memory_space<vmem>>
      %dma_wait3A_862 = tpu.memref_squeeze %dma_wait3A_861 : memref<1x64x128xf32, #tpu.memory_space<vmem>> -> memref<64x128xf32, #tpu.memory_space<vmem>>
      %dma_wait3A_863 = arith.constant 0 : i32
      %dma_wait3A_864 = tpu.memref_slice %arg4[%mul3A_2, %dma_wait3A_863] : memref<819200x128xf32, #tpu.memory_space<hbm>> -> memref<64x128xf32, #tpu.memory_space<hbm>>
      %dma_wait3A_865 = arith.constant 0 : i32
      %dma_wait3A_866 = tpu.memref_slice %arg4[%mul3A_2, %dma_wait3A_865] : memref<819200x128xf32, #tpu.memory_space<hbm>> -> memref<64x128xf32, #tpu.memory_space<hbm>>
      %dma_wait3A_867 = arith.constant 0 : i32
      %dma_wait3A_868 = arith.constant 0 : i32
      %dma_wait3A_869 = tpu.memref_slice %arg6[%dma_wait3A_858, %dma_wait3A_867, %dma_wait3A_868] : memref<8x64x128xf32, #tpu.memory_space<vmem>> -> memref<1x64x128xf32, #tpu.memory_space<vmem>>
      %dma_wait3A_870 = tpu.memref_squeeze %dma_wait3A_869 : memref<1x64x128xf32, #tpu.memory_space<vmem>> -> memref<64x128xf32, #tpu.memory_space<vmem>>
      tpu.wait_dma2 semaphore(%arg21 : memref<!tpu.dma_semaphore, #tpu.memory_space<semaphore_mem>>) src(%dma_wait3A_870 : memref<64x128xf32, #tpu.memory_space<vmem>>) dst(%dma_wait3A_866 : memref<64x128xf32, #tpu.memory_space<hbm>>)
      %add3A_871 = arith.constant 8 : i32
      %add3A_872 = arith.addi %mul3A_453, %add3A_871 : i32
      %add3A_873 = arith.constant 5 : i32
      %add3A_874 = arith.addi %add3A_872, %add3A_873 : i32
      %dma_start3A_875 = arith.constant 5 : i32
      %dma_start3A_876 = arith.constant 0 : i32
      %dma_start3A_877 = arith.constant 0 : i32
      %dma_start3A_878 = tpu.memref_slice %arg6[%dma_start3A_875, %dma_start3A_876, %dma_start3A_877] : memref<8x64x128xf32, #tpu.memory_space<vmem>> -> memref<1x64x128xf32, #tpu.memory_space<vmem>>
      %dma_start3A_879 = tpu.memref_squeeze %dma_start3A_878 : memref<1x64x128xf32, #tpu.memory_space<vmem>> -> memref<64x128xf32, #tpu.memory_space<vmem>>
      %dma_start3A_880 = arith.constant 0 : i32
      %dma_start3A_881 = tpu.memref_slice %arg5[%add3A_874, %dma_start3A_880] : memref<400x64xi32, #tpu.memory_space<vmem>> -> memref<1x64xi32, #tpu.memory_space<vmem>>
      %dma_start3A_882 = tpu.memref_squeeze %dma_start3A_881 : memref<1x64xi32, #tpu.memory_space<vmem>> -> memref<64xi32, #tpu.memory_space<vmem>>
      %dma_start3A_883 = arith.constant 0 : i32
      %dma_start3A_884 = arith.constant 0 : i32
      %dma_start3A_885 = tpu.memref_slice %arg7[%dma_start3A_883, %dma_start3A_884] : memref<1000x128xf32, #tpu.memory_space<vmem_shared>> -> memref<1000x128xf32, #tpu.memory_space<vmem_shared>>
      tpu.enqueue_indirect_dma source(%dma_start3A_885 : memref<1000x128xf32, #tpu.memory_space<vmem_shared>>) target(%dma_start3A_879 : memref<64x128xf32, #tpu.memory_space<vmem>>) offsets(%dma_start3A_882 : memref<64xi32, #tpu.memory_space<vmem>>) semaphore(%arg13 : memref<!tpu.dma_semaphore, #tpu.memory_space<semaphore_mem>>)
      %dma_wait3A_886 = arith.constant 6 : i32
      %dma_wait3A_887 = arith.constant 0 : i32
      %dma_wait3A_888 = arith.constant 0 : i32
      %dma_wait3A_889 = tpu.memref_slice %arg6[%dma_wait3A_886, %dma_wait3A_887, %dma_wait3A_888] : memref<8x64x128xf32, #tpu.memory_space<vmem>> -> memref<1x64x128xf32, #tpu.memory_space<vmem>>
      %dma_wait3A_890 = tpu.memref_squeeze %dma_wait3A_889 : memref<1x64x128xf32, #tpu.memory_space<vmem>> -> memref<64x128xf32, #tpu.memory_space<vmem>>
      %dma_wait3A_891 = arith.constant 0 : i32
      %dma_wait3A_892 = tpu.memref_slice %arg4[%mul3A_2, %dma_wait3A_891] : memref<819200x128xf32, #tpu.memory_space<hbm>> -> memref<64x128xf32, #tpu.memory_space<hbm>>
      %dma_wait3A_893 = arith.constant 0 : i32
      %dma_wait3A_894 = tpu.memref_slice %arg4[%mul3A_2, %dma_wait3A_893] : memref<819200x128xf32, #tpu.memory_space<hbm>> -> memref<64x128xf32, #tpu.memory_space<hbm>>
      %dma_wait3A_895 = arith.constant 0 : i32
      %dma_wait3A_896 = arith.constant 0 : i32
      %dma_wait3A_897 = tpu.memref_slice %arg6[%dma_wait3A_886, %dma_wait3A_895, %dma_wait3A_896] : memref<8x64x128xf32, #tpu.memory_space<vmem>> -> memref<1x64x128xf32, #tpu.memory_space<vmem>>
      %dma_wait3A_898 = tpu.memref_squeeze %dma_wait3A_897 : memref<1x64x128xf32, #tpu.memory_space<vmem>> -> memref<64x128xf32, #tpu.memory_space<vmem>>
      tpu.wait_dma2 semaphore(%arg22 : memref<!tpu.dma_semaphore, #tpu.memory_space<semaphore_mem>>) src(%dma_wait3A_898 : memref<64x128xf32, #tpu.memory_space<vmem>>) dst(%dma_wait3A_894 : memref<64x128xf32, #tpu.memory_space<hbm>>)
      %add3A_899 = arith.constant 8 : i32
      %add3A_900 = arith.addi %mul3A_453, %add3A_899 : i32
      %add3A_901 = arith.constant 6 : i32
      %add3A_902 = arith.addi %add3A_900, %add3A_901 : i32
      %dma_start3A_903 = arith.constant 6 : i32
      %dma_start3A_904 = arith.constant 0 : i32
      %dma_start3A_905 = arith.constant 0 : i32
      %dma_start3A_906 = tpu.memref_slice %arg6[%dma_start3A_903, %dma_start3A_904, %dma_start3A_905] : memref<8x64x128xf32, #tpu.memory_space<vmem>> -> memref<1x64x128xf32, #tpu.memory_space<vmem>>
      %dma_start3A_907 = tpu.memref_squeeze %dma_start3A_906 : memref<1x64x128xf32, #tpu.memory_space<vmem>> -> memref<64x128xf32, #tpu.memory_space<vmem>>
      %dma_start3A_908 = arith.constant 0 : i32
      %dma_start3A_909 = tpu.memref_slice %arg5[%add3A_902, %dma_start3A_908] : memref<400x64xi32, #tpu.memory_space<vmem>> -> memref<1x64xi32, #tpu.memory_space<vmem>>
      %dma_start3A_910 = tpu.memref_squeeze %dma_start3A_909 : memref<1x64xi32, #tpu.memory_space<vmem>> -> memref<64xi32, #tpu.memory_space<vmem>>
      %dma_start3A_911 = arith.constant 0 : i32
      %dma_start3A_912 = arith.constant 0 : i32
      %dma_start3A_913 = tpu.memref_slice %arg7[%dma_start3A_911, %dma_start3A_912] : memref<1000x128xf32, #tpu.memory_space<vmem_shared>> -> memref<1000x128xf32, #tpu.memory_space<vmem_shared>>
      tpu.enqueue_indirect_dma source(%dma_start3A_913 : memref<1000x128xf32, #tpu.memory_space<vmem_shared>>) target(%dma_start3A_907 : memref<64x128xf32, #tpu.memory_space<vmem>>) offsets(%dma_start3A_910 : memref<64xi32, #tpu.memory_space<vmem>>) semaphore(%arg14 : memref<!tpu.dma_semaphore, #tpu.memory_space<semaphore_mem>>)
      %dma_wait3A_914 = arith.constant 7 : i32
      %dma_wait3A_915 = arith.constant 0 : i32
      %dma_wait3A_916 = arith.constant 0 : i32
      %dma_wait3A_917 = tpu.memref_slice %arg6[%dma_wait3A_914, %dma_wait3A_915, %dma_wait3A_916] : memref<8x64x128xf32, #tpu.memory_space<vmem>> -> memref<1x64x128xf32, #tpu.memory_space<vmem>>
      %dma_wait3A_918 = tpu.memref_squeeze %dma_wait3A_917 : memref<1x64x128xf32, #tpu.memory_space<vmem>> -> memref<64x128xf32, #tpu.memory_space<vmem>>
      %dma_wait3A_919 = arith.constant 0 : i32
      %dma_wait3A_920 = tpu.memref_slice %arg4[%mul3A_2, %dma_wait3A_919] : memref<819200x128xf32, #tpu.memory_space<hbm>> -> memref<64x128xf32, #tpu.memory_space<hbm>>
      %dma_wait3A_921 = arith.constant 0 : i32
      %dma_wait3A_922 = tpu.memref_slice %arg4[%mul3A_2, %dma_wait3A_921] : memref<819200x128xf32, #tpu.memory_space<hbm>> -> memref<64x128xf32, #tpu.memory_space<hbm>>
      %dma_wait3A_923 = arith.constant 0 : i32
      %dma_wait3A_924 = arith.constant 0 : i32
      %dma_wait3A_925 = tpu.memref_slice %arg6[%dma_wait3A_914, %dma_wait3A_923, %dma_wait3A_924] : memref<8x64x128xf32, #tpu.memory_space<vmem>> -> memref<1x64x128xf32, #tpu.memory_space<vmem>>
      %dma_wait3A_926 = tpu.memref_squeeze %dma_wait3A_925 : memref<1x64x128xf32, #tpu.memory_space<vmem>> -> memref<64x128xf32, #tpu.memory_space<vmem>>
      tpu.wait_dma2 semaphore(%arg23 : memref<!tpu.dma_semaphore, #tpu.memory_space<semaphore_mem>>) src(%dma_wait3A_926 : memref<64x128xf32, #tpu.memory_space<vmem>>) dst(%dma_wait3A_922 : memref<64x128xf32, #tpu.memory_space<hbm>>)
      %add3A_927 = arith.constant 8 : i32
      %add3A_928 = arith.addi %mul3A_453, %add3A_927 : i32
      %add3A_929 = arith.constant 7 : i32
      %add3A_930 = arith.addi %add3A_928, %add3A_929 : i32
      %dma_start3A_931 = arith.constant 7 : i32
      %dma_start3A_932 = arith.constant 0 : i32
      %dma_start3A_933 = arith.constant 0 : i32
      %dma_start3A_934 = tpu.memref_slice %arg6[%dma_start3A_931, %dma_start3A_932, %dma_start3A_933] : memref<8x64x128xf32, #tpu.memory_space<vmem>> -> memref<1x64x128xf32, #tpu.memory_space<vmem>>
      %dma_start3A_935 = tpu.memref_squeeze %dma_start3A_934 : memref<1x64x128xf32, #tpu.memory_space<vmem>> -> memref<64x128xf32, #tpu.memory_space<vmem>>
      %dma_start3A_936 = arith.constant 0 : i32
      %dma_start3A_937 = tpu.memref_slice %arg5[%add3A_930, %dma_start3A_936] : memref<400x64xi32, #tpu.memory_space<vmem>> -> memref<1x64xi32, #tpu.memory_space<vmem>>
      %dma_start3A_938 = tpu.memref_squeeze %dma_start3A_937 : memref<1x64xi32, #tpu.memory_space<vmem>> -> memref<64xi32, #tpu.memory_space<vmem>>
      %dma_start3A_939 = arith.constant 0 : i32
      %dma_start3A_940 = arith.constant 0 : i32
      %dma_start3A_941 = tpu.memref_slice %arg7[%dma_start3A_939, %dma_start3A_940] : memref<1000x128xf32, #tpu.memory_space<vmem_shared>> -> memref<1000x128xf32, #tpu.memory_space<vmem_shared>>
      tpu.enqueue_indirect_dma source(%dma_start3A_941 : memref<1000x128xf32, #tpu.memory_space<vmem_shared>>) target(%dma_start3A_935 : memref<64x128xf32, #tpu.memory_space<vmem>>) offsets(%dma_start3A_938 : memref<64xi32, #tpu.memory_space<vmem>>) semaphore(%arg15 : memref<!tpu.dma_semaphore, #tpu.memory_space<semaphore_mem>>)
    }
    %scan3A_103 = arith.constant 49 : i32
    %dma_wait3A = arith.constant 0 : i32
    %dma_wait3A_104 = arith.constant 0 : i32
    %dma_wait3A_105 = arith.constant 0 : i32
    %dma_wait3A_106 = tpu.memref_slice %arg6[%dma_wait3A, %dma_wait3A_104, %dma_wait3A_105] : memref<8x64x128xf32, #tpu.memory_space<vmem>> -> memref<1x64x128xf32, #tpu.memory_space<vmem>>
    %dma_wait3A_107 = tpu.memref_squeeze %dma_wait3A_106 : memref<1x64x128xf32, #tpu.memory_space<vmem>> -> memref<64x128xf32, #tpu.memory_space<vmem>>
    %dma_wait3A_108 = arith.constant 0 : i32
    %dma_wait3A_109 = arith.constant 0 : i32
    %dma_wait3A_110 = tpu.memref_slice %arg7[%dma_wait3A_108, %dma_wait3A_109] : memref<1000x128xf32, #tpu.memory_space<vmem_shared>> -> memref<64x128xf32, #tpu.memory_space<vmem_shared>>
    %dma_wait3A_111 = arith.constant 0 : i32
    %dma_wait3A_112 = arith.constant 0 : i32
    %dma_wait3A_113 = tpu.memref_slice %arg6[%dma_wait3A, %dma_wait3A_111, %dma_wait3A_112] : memref<8x64x128xf32, #tpu.memory_space<vmem>> -> memref<1x64x128xf32, #tpu.memory_space<vmem>>
    %dma_wait3A_114 = tpu.memref_squeeze %dma_wait3A_113 : memref<1x64x128xf32, #tpu.memory_space<vmem>> -> memref<64x128xf32, #tpu.memory_space<vmem>>
    %dma_wait3A_115 = arith.constant 0 : i32
    %dma_wait3A_116 = arith.constant 0 : i32
    %dma_wait3A_117 = tpu.memref_slice %arg7[%dma_wait3A_115, %dma_wait3A_116] : memref<1000x128xf32, #tpu.memory_space<vmem_shared>> -> memref<64x128xf32, #tpu.memory_space<vmem_shared>>
    tpu.wait_dma2 semaphore(%arg8 : memref<!tpu.dma_semaphore, #tpu.memory_space<semaphore_mem>>) src(%dma_wait3A_117 : memref<64x128xf32, #tpu.memory_space<vmem_shared>>) dst(%dma_wait3A_114 : memref<64x128xf32, #tpu.memory_space<vmem>>)
    %add3A_118 = arith.constant 25088 : i32
    %add3A_119 = arith.addi %mul3A_2, %add3A_118 : i32
    %dma_start3A_120 = arith.constant 0 : i32
    %dma_start3A_121 = arith.constant 0 : i32
    %dma_start3A_122 = arith.constant 0 : i32
    %dma_start3A_123 = tpu.memref_slice %arg6[%dma_start3A_120, %dma_start3A_121, %dma_start3A_122] : memref<8x64x128xf32, #tpu.memory_space<vmem>> -> memref<1x64x128xf32, #tpu.memory_space<vmem>>
    %dma_start3A_124 = tpu.memref_squeeze %dma_start3A_123 : memref<1x64x128xf32, #tpu.memory_space<vmem>> -> memref<64x128xf32, #tpu.memory_space<vmem>>
    %dma_start3A_125 = arith.constant 0 : i32
    %dma_start3A_126 = tpu.memref_slice %arg4[%add3A_119, %dma_start3A_125] : memref<819200x128xf32, #tpu.memory_space<hbm>> -> memref<64x128xf32, #tpu.memory_space<hbm>>
    %dma_start3A_127 = arith.constant 0 : i32
    %dma_start3A_128 = tpu.memref_slice %arg4[%add3A_119, %dma_start3A_127] : memref<819200x128xf32, #tpu.memory_space<hbm>> -> memref<64x128xf32, #tpu.memory_space<hbm>>
    %dma_start3A_129 = arith.constant 0 : i32
    %dma_start3A_130 = arith.constant 0 : i32
    %dma_start3A_131 = tpu.memref_slice %arg6[%dma_start3A_120, %dma_start3A_129, %dma_start3A_130] : memref<8x64x128xf32, #tpu.memory_space<vmem>> -> memref<1x64x128xf32, #tpu.memory_space<vmem>>
    %dma_start3A_132 = tpu.memref_squeeze %dma_start3A_131 : memref<1x64x128xf32, #tpu.memory_space<vmem>> -> memref<64x128xf32, #tpu.memory_space<vmem>>
    tpu.enqueue_dma source(%dma_start3A_132 : memref<64x128xf32, #tpu.memory_space<vmem>>) target(%dma_start3A_128 : memref<64x128xf32, #tpu.memory_space<hbm>>) target_semaphore(%arg16 : memref<!tpu.dma_semaphore, #tpu.memory_space<semaphore_mem>>)
    %dma_wait3A_133 = arith.constant 1 : i32
    %dma_wait3A_134 = arith.constant 0 : i32
    %dma_wait3A_135 = arith.constant 0 : i32
    %dma_wait3A_136 = tpu.memref_slice %arg6[%dma_wait3A_133, %dma_wait3A_134, %dma_wait3A_135] : memref<8x64x128xf32, #tpu.memory_space<vmem>> -> memref<1x64x128xf32, #tpu.memory_space<vmem>>
    %dma_wait3A_137 = tpu.memref_squeeze %dma_wait3A_136 : memref<1x64x128xf32, #tpu.memory_space<vmem>> -> memref<64x128xf32, #tpu.memory_space<vmem>>
    %dma_wait3A_138 = arith.constant 0 : i32
    %dma_wait3A_139 = arith.constant 0 : i32
    %dma_wait3A_140 = tpu.memref_slice %arg7[%dma_wait3A_138, %dma_wait3A_139] : memref<1000x128xf32, #tpu.memory_space<vmem_shared>> -> memref<64x128xf32, #tpu.memory_space<vmem_shared>>
    %dma_wait3A_141 = arith.constant 0 : i32
    %dma_wait3A_142 = arith.constant 0 : i32
    %dma_wait3A_143 = tpu.memref_slice %arg6[%dma_wait3A_133, %dma_wait3A_141, %dma_wait3A_142] : memref<8x64x128xf32, #tpu.memory_space<vmem>> -> memref<1x64x128xf32, #tpu.memory_space<vmem>>
    %dma_wait3A_144 = tpu.memref_squeeze %dma_wait3A_143 : memref<1x64x128xf32, #tpu.memory_space<vmem>> -> memref<64x128xf32, #tpu.memory_space<vmem>>
    %dma_wait3A_145 = arith.constant 0 : i32
    %dma_wait3A_146 = arith.constant 0 : i32
    %dma_wait3A_147 = tpu.memref_slice %arg7[%dma_wait3A_145, %dma_wait3A_146] : memref<1000x128xf32, #tpu.memory_space<vmem_shared>> -> memref<64x128xf32, #tpu.memory_space<vmem_shared>>
    tpu.wait_dma2 semaphore(%arg9 : memref<!tpu.dma_semaphore, #tpu.memory_space<semaphore_mem>>) src(%dma_wait3A_147 : memref<64x128xf32, #tpu.memory_space<vmem_shared>>) dst(%dma_wait3A_144 : memref<64x128xf32, #tpu.memory_space<vmem>>)
    %add3A_148 = arith.constant 25152 : i32
    %add3A_149 = arith.addi %mul3A_2, %add3A_148 : i32
    %dma_start3A_150 = arith.constant 1 : i32
    %dma_start3A_151 = arith.constant 0 : i32
    %dma_start3A_152 = arith.constant 0 : i32
    %dma_start3A_153 = tpu.memref_slice %arg6[%dma_start3A_150, %dma_start3A_151, %dma_start3A_152] : memref<8x64x128xf32, #tpu.memory_space<vmem>> -> memref<1x64x128xf32, #tpu.memory_space<vmem>>
    %dma_start3A_154 = tpu.memref_squeeze %dma_start3A_153 : memref<1x64x128xf32, #tpu.memory_space<vmem>> -> memref<64x128xf32, #tpu.memory_space<vmem>>
    %dma_start3A_155 = arith.constant 0 : i32
    %dma_start3A_156 = tpu.memref_slice %arg4[%add3A_149, %dma_start3A_155] : memref<819200x128xf32, #tpu.memory_space<hbm>> -> memref<64x128xf32, #tpu.memory_space<hbm>>
    %dma_start3A_157 = arith.constant 0 : i32
    %dma_start3A_158 = tpu.memref_slice %arg4[%add3A_149, %dma_start3A_157] : memref<819200x128xf32, #tpu.memory_space<hbm>> -> memref<64x128xf32, #tpu.memory_space<hbm>>
    %dma_start3A_159 = arith.constant 0 : i32
    %dma_start3A_160 = arith.constant 0 : i32
    %dma_start3A_161 = tpu.memref_slice %arg6[%dma_start3A_150, %dma_start3A_159, %dma_start3A_160] : memref<8x64x128xf32, #tpu.memory_space<vmem>> -> memref<1x64x128xf32, #tpu.memory_space<vmem>>
    %dma_start3A_162 = tpu.memref_squeeze %dma_start3A_161 : memref<1x64x128xf32, #tpu.memory_space<vmem>> -> memref<64x128xf32, #tpu.memory_space<vmem>>
    tpu.enqueue_dma source(%dma_start3A_162 : memref<64x128xf32, #tpu.memory_space<vmem>>) target(%dma_start3A_158 : memref<64x128xf32, #tpu.memory_space<hbm>>) target_semaphore(%arg17 : memref<!tpu.dma_semaphore, #tpu.memory_space<semaphore_mem>>)
    %dma_wait3A_163 = arith.constant 2 : i32
    %dma_wait3A_164 = arith.constant 0 : i32
    %dma_wait3A_165 = arith.constant 0 : i32
    %dma_wait3A_166 = tpu.memref_slice %arg6[%dma_wait3A_163, %dma_wait3A_164, %dma_wait3A_165] : memref<8x64x128xf32, #tpu.memory_space<vmem>> -> memref<1x64x128xf32, #tpu.memory_space<vmem>>
    %dma_wait3A_167 = tpu.memref_squeeze %dma_wait3A_166 : memref<1x64x128xf32, #tpu.memory_space<vmem>> -> memref<64x128xf32, #tpu.memory_space<vmem>>
    %dma_wait3A_168 = arith.constant 0 : i32
    %dma_wait3A_169 = arith.constant 0 : i32
    %dma_wait3A_170 = tpu.memref_slice %arg7[%dma_wait3A_168, %dma_wait3A_169] : memref<1000x128xf32, #tpu.memory_space<vmem_shared>> -> memref<64x128xf32, #tpu.memory_space<vmem_shared>>
    %dma_wait3A_171 = arith.constant 0 : i32
    %dma_wait3A_172 = arith.constant 0 : i32
    %dma_wait3A_173 = tpu.memref_slice %arg6[%dma_wait3A_163, %dma_wait3A_171, %dma_wait3A_172] : memref<8x64x128xf32, #tpu.memory_space<vmem>> -> memref<1x64x128xf32, #tpu.memory_space<vmem>>
    %dma_wait3A_174 = tpu.memref_squeeze %dma_wait3A_173 : memref<1x64x128xf32, #tpu.memory_space<vmem>> -> memref<64x128xf32, #tpu.memory_space<vmem>>
    %dma_wait3A_175 = arith.constant 0 : i32
    %dma_wait3A_176 = arith.constant 0 : i32
    %dma_wait3A_177 = tpu.memref_slice %arg7[%dma_wait3A_175, %dma_wait3A_176] : memref<1000x128xf32, #tpu.memory_space<vmem_shared>> -> memref<64x128xf32, #tpu.memory_space<vmem_shared>>
    tpu.wait_dma2 semaphore(%arg10 : memref<!tpu.dma_semaphore, #tpu.memory_space<semaphore_mem>>) src(%dma_wait3A_177 : memref<64x128xf32, #tpu.memory_space<vmem_shared>>) dst(%dma_wait3A_174 : memref<64x128xf32, #tpu.memory_space<vmem>>)
    %add3A_178 = arith.constant 25216 : i32
    %add3A_179 = arith.addi %mul3A_2, %add3A_178 : i32
    %dma_start3A_180 = arith.constant 2 : i32
    %dma_start3A_181 = arith.constant 0 : i32
    %dma_start3A_182 = arith.constant 0 : i32
    %dma_start3A_183 = tpu.memref_slice %arg6[%dma_start3A_180, %dma_start3A_181, %dma_start3A_182] : memref<8x64x128xf32, #tpu.memory_space<vmem>> -> memref<1x64x128xf32, #tpu.memory_space<vmem>>
    %dma_start3A_184 = tpu.memref_squeeze %dma_start3A_183 : memref<1x64x128xf32, #tpu.memory_space<vmem>> -> memref<64x128xf32, #tpu.memory_space<vmem>>
    %dma_start3A_185 = arith.constant 0 : i32
    %dma_start3A_186 = tpu.memref_slice %arg4[%add3A_179, %dma_start3A_185] : memref<819200x128xf32, #tpu.memory_space<hbm>> -> memref<64x128xf32, #tpu.memory_space<hbm>>
    %dma_start3A_187 = arith.constant 0 : i32
    %dma_start3A_188 = tpu.memref_slice %arg4[%add3A_179, %dma_start3A_187] : memref<819200x128xf32, #tpu.memory_space<hbm>> -> memref<64x128xf32, #tpu.memory_space<hbm>>
    %dma_start3A_189 = arith.constant 0 : i32
    %dma_start3A_190 = arith.constant 0 : i32
    %dma_start3A_191 = tpu.memref_slice %arg6[%dma_start3A_180, %dma_start3A_189, %dma_start3A_190] : memref<8x64x128xf32, #tpu.memory_space<vmem>> -> memref<1x64x128xf32, #tpu.memory_space<vmem>>
    %dma_start3A_192 = tpu.memref_squeeze %dma_start3A_191 : memref<1x64x128xf32, #tpu.memory_space<vmem>> -> memref<64x128xf32, #tpu.memory_space<vmem>>
    tpu.enqueue_dma source(%dma_start3A_192 : memref<64x128xf32, #tpu.memory_space<vmem>>) target(%dma_start3A_188 : memref<64x128xf32, #tpu.memory_space<hbm>>) target_semaphore(%arg18 : memref<!tpu.dma_semaphore, #tpu.memory_space<semaphore_mem>>)
    %dma_wait3A_193 = arith.constant 3 : i32
    %dma_wait3A_194 = arith.constant 0 : i32
    %dma_wait3A_195 = arith.constant 0 : i32
    %dma_wait3A_196 = tpu.memref_slice %arg6[%dma_wait3A_193, %dma_wait3A_194, %dma_wait3A_195] : memref<8x64x128xf32, #tpu.memory_space<vmem>> -> memref<1x64x128xf32, #tpu.memory_space<vmem>>
    %dma_wait3A_197 = tpu.memref_squeeze %dma_wait3A_196 : memref<1x64x128xf32, #tpu.memory_space<vmem>> -> memref<64x128xf32, #tpu.memory_space<vmem>>
    %dma_wait3A_198 = arith.constant 0 : i32
    %dma_wait3A_199 = arith.constant 0 : i32
    %dma_wait3A_200 = tpu.memref_slice %arg7[%dma_wait3A_198, %dma_wait3A_199] : memref<1000x128xf32, #tpu.memory_space<vmem_shared>> -> memref<64x128xf32, #tpu.memory_space<vmem_shared>>
    %dma_wait3A_201 = arith.constant 0 : i32
    %dma_wait3A_202 = arith.constant 0 : i32
    %dma_wait3A_203 = tpu.memref_slice %arg6[%dma_wait3A_193, %dma_wait3A_201, %dma_wait3A_202] : memref<8x64x128xf32, #tpu.memory_space<vmem>> -> memref<1x64x128xf32, #tpu.memory_space<vmem>>
    %dma_wait3A_204 = tpu.memref_squeeze %dma_wait3A_203 : memref<1x64x128xf32, #tpu.memory_space<vmem>> -> memref<64x128xf32, #tpu.memory_space<vmem>>
    %dma_wait3A_205 = arith.constant 0 : i32
    %dma_wait3A_206 = arith.constant 0 : i32
    %dma_wait3A_207 = tpu.memref_slice %arg7[%dma_wait3A_205, %dma_wait3A_206] : memref<1000x128xf32, #tpu.memory_space<vmem_shared>> -> memref<64x128xf32, #tpu.memory_space<vmem_shared>>
    tpu.wait_dma2 semaphore(%arg11 : memref<!tpu.dma_semaphore, #tpu.memory_space<semaphore_mem>>) src(%dma_wait3A_207 : memref<64x128xf32, #tpu.memory_space<vmem_shared>>) dst(%dma_wait3A_204 : memref<64x128xf32, #tpu.memory_space<vmem>>)
    %add3A_208 = arith.constant 25280 : i32
    %add3A_209 = arith.addi %mul3A_2, %add3A_208 : i32
    %dma_start3A_210 = arith.constant 3 : i32
    %dma_start3A_211 = arith.constant 0 : i32
    %dma_start3A_212 = arith.constant 0 : i32
    %dma_start3A_213 = tpu.memref_slice %arg6[%dma_start3A_210, %dma_start3A_211, %dma_start3A_212] : memref<8x64x128xf32, #tpu.memory_space<vmem>> -> memref<1x64x128xf32, #tpu.memory_space<vmem>>
    %dma_start3A_214 = tpu.memref_squeeze %dma_start3A_213 : memref<1x64x128xf32, #tpu.memory_space<vmem>> -> memref<64x128xf32, #tpu.memory_space<vmem>>
    %dma_start3A_215 = arith.constant 0 : i32
    %dma_start3A_216 = tpu.memref_slice %arg4[%add3A_209, %dma_start3A_215] : memref<819200x128xf32, #tpu.memory_space<hbm>> -> memref<64x128xf32, #tpu.memory_space<hbm>>
    %dma_start3A_217 = arith.constant 0 : i32
    %dma_start3A_218 = tpu.memref_slice %arg4[%add3A_209, %dma_start3A_217] : memref<819200x128xf32, #tpu.memory_space<hbm>> -> memref<64x128xf32, #tpu.memory_space<hbm>>
    %dma_start3A_219 = arith.constant 0 : i32
    %dma_start3A_220 = arith.constant 0 : i32
    %dma_start3A_221 = tpu.memref_slice %arg6[%dma_start3A_210, %dma_start3A_219, %dma_start3A_220] : memref<8x64x128xf32, #tpu.memory_space<vmem>> -> memref<1x64x128xf32, #tpu.memory_space<vmem>>
    %dma_start3A_222 = tpu.memref_squeeze %dma_start3A_221 : memref<1x64x128xf32, #tpu.memory_space<vmem>> -> memref<64x128xf32, #tpu.memory_space<vmem>>
    tpu.enqueue_dma source(%dma_start3A_222 : memref<64x128xf32, #tpu.memory_space<vmem>>) target(%dma_start3A_218 : memref<64x128xf32, #tpu.memory_space<hbm>>) target_semaphore(%arg19 : memref<!tpu.dma_semaphore, #tpu.memory_space<semaphore_mem>>)
    %dma_wait3A_223 = arith.constant 4 : i32
    %dma_wait3A_224 = arith.constant 0 : i32
    %dma_wait3A_225 = arith.constant 0 : i32
    %dma_wait3A_226 = tpu.memref_slice %arg6[%dma_wait3A_223, %dma_wait3A_224, %dma_wait3A_225] : memref<8x64x128xf32, #tpu.memory_space<vmem>> -> memref<1x64x128xf32, #tpu.memory_space<vmem>>
    %dma_wait3A_227 = tpu.memref_squeeze %dma_wait3A_226 : memref<1x64x128xf32, #tpu.memory_space<vmem>> -> memref<64x128xf32, #tpu.memory_space<vmem>>
    %dma_wait3A_228 = arith.constant 0 : i32
    %dma_wait3A_229 = arith.constant 0 : i32
    %dma_wait3A_230 = tpu.memref_slice %arg7[%dma_wait3A_228, %dma_wait3A_229] : memref<1000x128xf32, #tpu.memory_space<vmem_shared>> -> memref<64x128xf32, #tpu.memory_space<vmem_shared>>
    %dma_wait3A_231 = arith.constant 0 : i32
    %dma_wait3A_232 = arith.constant 0 : i32
    %dma_wait3A_233 = tpu.memref_slice %arg6[%dma_wait3A_223, %dma_wait3A_231, %dma_wait3A_232] : memref<8x64x128xf32, #tpu.memory_space<vmem>> -> memref<1x64x128xf32, #tpu.memory_space<vmem>>
    %dma_wait3A_234 = tpu.memref_squeeze %dma_wait3A_233 : memref<1x64x128xf32, #tpu.memory_space<vmem>> -> memref<64x128xf32, #tpu.memory_space<vmem>>
    %dma_wait3A_235 = arith.constant 0 : i32
    %dma_wait3A_236 = arith.constant 0 : i32
    %dma_wait3A_237 = tpu.memref_slice %arg7[%dma_wait3A_235, %dma_wait3A_236] : memref<1000x128xf32, #tpu.memory_space<vmem_shared>> -> memref<64x128xf32, #tpu.memory_space<vmem_shared>>
    tpu.wait_dma2 semaphore(%arg12 : memref<!tpu.dma_semaphore, #tpu.memory_space<semaphore_mem>>) src(%dma_wait3A_237 : memref<64x128xf32, #tpu.memory_space<vmem_shared>>) dst(%dma_wait3A_234 : memref<64x128xf32, #tpu.memory_space<vmem>>)
    %add3A_238 = arith.constant 25344 : i32
    %add3A_239 = arith.addi %mul3A_2, %add3A_238 : i32
    %dma_start3A_240 = arith.constant 4 : i32
    %dma_start3A_241 = arith.constant 0 : i32
    %dma_start3A_242 = arith.constant 0 : i32
    %dma_start3A_243 = tpu.memref_slice %arg6[%dma_start3A_240, %dma_start3A_241, %dma_start3A_242] : memref<8x64x128xf32, #tpu.memory_space<vmem>> -> memref<1x64x128xf32, #tpu.memory_space<vmem>>
    %dma_start3A_244 = tpu.memref_squeeze %dma_start3A_243 : memref<1x64x128xf32, #tpu.memory_space<vmem>> -> memref<64x128xf32, #tpu.memory_space<vmem>>
    %dma_start3A_245 = arith.constant 0 : i32
    %dma_start3A_246 = tpu.memref_slice %arg4[%add3A_239, %dma_start3A_245] : memref<819200x128xf32, #tpu.memory_space<hbm>> -> memref<64x128xf32, #tpu.memory_space<hbm>>
    %dma_start3A_247 = arith.constant 0 : i32
    %dma_start3A_248 = tpu.memref_slice %arg4[%add3A_239, %dma_start3A_247] : memref<819200x128xf32, #tpu.memory_space<hbm>> -> memref<64x128xf32, #tpu.memory_space<hbm>>
    %dma_start3A_249 = arith.constant 0 : i32
    %dma_start3A_250 = arith.constant 0 : i32
    %dma_start3A_251 = tpu.memref_slice %arg6[%dma_start3A_240, %dma_start3A_249, %dma_start3A_250] : memref<8x64x128xf32, #tpu.memory_space<vmem>> -> memref<1x64x128xf32, #tpu.memory_space<vmem>>
    %dma_start3A_252 = tpu.memref_squeeze %dma_start3A_251 : memref<1x64x128xf32, #tpu.memory_space<vmem>> -> memref<64x128xf32, #tpu.memory_space<vmem>>
    tpu.enqueue_dma source(%dma_start3A_252 : memref<64x128xf32, #tpu.memory_space<vmem>>) target(%dma_start3A_248 : memref<64x128xf32, #tpu.memory_space<hbm>>) target_semaphore(%arg20 : memref<!tpu.dma_semaphore, #tpu.memory_space<semaphore_mem>>)
    %dma_wait3A_253 = arith.constant 5 : i32
    %dma_wait3A_254 = arith.constant 0 : i32
    %dma_wait3A_255 = arith.constant 0 : i32
    %dma_wait3A_256 = tpu.memref_slice %arg6[%dma_wait3A_253, %dma_wait3A_254, %dma_wait3A_255] : memref<8x64x128xf32, #tpu.memory_space<vmem>> -> memref<1x64x128xf32, #tpu.memory_space<vmem>>
    %dma_wait3A_257 = tpu.memref_squeeze %dma_wait3A_256 : memref<1x64x128xf32, #tpu.memory_space<vmem>> -> memref<64x128xf32, #tpu.memory_space<vmem>>
    %dma_wait3A_258 = arith.constant 0 : i32
    %dma_wait3A_259 = arith.constant 0 : i32
    %dma_wait3A_260 = tpu.memref_slice %arg7[%dma_wait3A_258, %dma_wait3A_259] : memref<1000x128xf32, #tpu.memory_space<vmem_shared>> -> memref<64x128xf32, #tpu.memory_space<vmem_shared>>
    %dma_wait3A_261 = arith.constant 0 : i32
    %dma_wait3A_262 = arith.constant 0 : i32
    %dma_wait3A_263 = tpu.memref_slice %arg6[%dma_wait3A_253, %dma_wait3A_261, %dma_wait3A_262] : memref<8x64x128xf32, #tpu.memory_space<vmem>> -> memref<1x64x128xf32, #tpu.memory_space<vmem>>
    %dma_wait3A_264 = tpu.memref_squeeze %dma_wait3A_263 : memref<1x64x128xf32, #tpu.memory_space<vmem>> -> memref<64x128xf32, #tpu.memory_space<vmem>>
    %dma_wait3A_265 = arith.constant 0 : i32
    %dma_wait3A_266 = arith.constant 0 : i32
    %dma_wait3A_267 = tpu.memref_slice %arg7[%dma_wait3A_265, %dma_wait3A_266] : memref<1000x128xf32, #tpu.memory_space<vmem_shared>> -> memref<64x128xf32, #tpu.memory_space<vmem_shared>>
    tpu.wait_dma2 semaphore(%arg13 : memref<!tpu.dma_semaphore, #tpu.memory_space<semaphore_mem>>) src(%dma_wait3A_267 : memref<64x128xf32, #tpu.memory_space<vmem_shared>>) dst(%dma_wait3A_264 : memref<64x128xf32, #tpu.memory_space<vmem>>)
    %add3A_268 = arith.constant 25408 : i32
    %add3A_269 = arith.addi %mul3A_2, %add3A_268 : i32
    %dma_start3A_270 = arith.constant 5 : i32
    %dma_start3A_271 = arith.constant 0 : i32
    %dma_start3A_272 = arith.constant 0 : i32
    %dma_start3A_273 = tpu.memref_slice %arg6[%dma_start3A_270, %dma_start3A_271, %dma_start3A_272] : memref<8x64x128xf32, #tpu.memory_space<vmem>> -> memref<1x64x128xf32, #tpu.memory_space<vmem>>
    %dma_start3A_274 = tpu.memref_squeeze %dma_start3A_273 : memref<1x64x128xf32, #tpu.memory_space<vmem>> -> memref<64x128xf32, #tpu.memory_space<vmem>>
    %dma_start3A_275 = arith.constant 0 : i32
    %dma_start3A_276 = tpu.memref_slice %arg4[%add3A_269, %dma_start3A_275] : memref<819200x128xf32, #tpu.memory_space<hbm>> -> memref<64x128xf32, #tpu.memory_space<hbm>>
    %dma_start3A_277 = arith.constant 0 : i32
    %dma_start3A_278 = tpu.memref_slice %arg4[%add3A_269, %dma_start3A_277] : memref<819200x128xf32, #tpu.memory_space<hbm>> -> memref<64x128xf32, #tpu.memory_space<hbm>>
    %dma_start3A_279 = arith.constant 0 : i32
    %dma_start3A_280 = arith.constant 0 : i32
    %dma_start3A_281 = tpu.memref_slice %arg6[%dma_start3A_270, %dma_start3A_279, %dma_start3A_280] : memref<8x64x128xf32, #tpu.memory_space<vmem>> -> memref<1x64x128xf32, #tpu.memory_space<vmem>>
    %dma_start3A_282 = tpu.memref_squeeze %dma_start3A_281 : memref<1x64x128xf32, #tpu.memory_space<vmem>> -> memref<64x128xf32, #tpu.memory_space<vmem>>
    tpu.enqueue_dma source(%dma_start3A_282 : memref<64x128xf32, #tpu.memory_space<vmem>>) target(%dma_start3A_278 : memref<64x128xf32, #tpu.memory_space<hbm>>) target_semaphore(%arg21 : memref<!tpu.dma_semaphore, #tpu.memory_space<semaphore_mem>>)
    %dma_wait3A_283 = arith.constant 6 : i32
    %dma_wait3A_284 = arith.constant 0 : i32
    %dma_wait3A_285 = arith.constant 0 : i32
    %dma_wait3A_286 = tpu.memref_slice %arg6[%dma_wait3A_283, %dma_wait3A_284, %dma_wait3A_285] : memref<8x64x128xf32, #tpu.memory_space<vmem>> -> memref<1x64x128xf32, #tpu.memory_space<vmem>>
    %dma_wait3A_287 = tpu.memref_squeeze %dma_wait3A_286 : memref<1x64x128xf32, #tpu.memory_space<vmem>> -> memref<64x128xf32, #tpu.memory_space<vmem>>
    %dma_wait3A_288 = arith.constant 0 : i32
    %dma_wait3A_289 = arith.constant 0 : i32
    %dma_wait3A_290 = tpu.memref_slice %arg7[%dma_wait3A_288, %dma_wait3A_289] : memref<1000x128xf32, #tpu.memory_space<vmem_shared>> -> memref<64x128xf32, #tpu.memory_space<vmem_shared>>
    %dma_wait3A_291 = arith.constant 0 : i32
    %dma_wait3A_292 = arith.constant 0 : i32
    %dma_wait3A_293 = tpu.memref_slice %arg6[%dma_wait3A_283, %dma_wait3A_291, %dma_wait3A_292] : memref<8x64x128xf32, #tpu.memory_space<vmem>> -> memref<1x64x128xf32, #tpu.memory_space<vmem>>
    %dma_wait3A_294 = tpu.memref_squeeze %dma_wait3A_293 : memref<1x64x128xf32, #tpu.memory_space<vmem>> -> memref<64x128xf32, #tpu.memory_space<vmem>>
    %dma_wait3A_295 = arith.constant 0 : i32
    %dma_wait3A_296 = arith.constant 0 : i32
    %dma_wait3A_297 = tpu.memref_slice %arg7[%dma_wait3A_295, %dma_wait3A_296] : memref<1000x128xf32, #tpu.memory_space<vmem_shared>> -> memref<64x128xf32, #tpu.memory_space<vmem_shared>>
    tpu.wait_dma2 semaphore(%arg14 : memref<!tpu.dma_semaphore, #tpu.memory_space<semaphore_mem>>) src(%dma_wait3A_297 : memref<64x128xf32, #tpu.memory_space<vmem_shared>>) dst(%dma_wait3A_294 : memref<64x128xf32, #tpu.memory_space<vmem>>)
    %add3A_298 = arith.constant 25472 : i32
    %add3A_299 = arith.addi %mul3A_2, %add3A_298 : i32
    %dma_start3A_300 = arith.constant 6 : i32
    %dma_start3A_301 = arith.constant 0 : i32
    %dma_start3A_302 = arith.constant 0 : i32
    %dma_start3A_303 = tpu.memref_slice %arg6[%dma_start3A_300, %dma_start3A_301, %dma_start3A_302] : memref<8x64x128xf32, #tpu.memory_space<vmem>> -> memref<1x64x128xf32, #tpu.memory_space<vmem>>
    %dma_start3A_304 = tpu.memref_squeeze %dma_start3A_303 : memref<1x64x128xf32, #tpu.memory_space<vmem>> -> memref<64x128xf32, #tpu.memory_space<vmem>>
    %dma_start3A_305 = arith.constant 0 : i32
    %dma_start3A_306 = tpu.memref_slice %arg4[%add3A_299, %dma_start3A_305] : memref<819200x128xf32, #tpu.memory_space<hbm>> -> memref<64x128xf32, #tpu.memory_space<hbm>>
    %dma_start3A_307 = arith.constant 0 : i32
    %dma_start3A_308 = tpu.memref_slice %arg4[%add3A_299, %dma_start3A_307] : memref<819200x128xf32, #tpu.memory_space<hbm>> -> memref<64x128xf32, #tpu.memory_space<hbm>>
    %dma_start3A_309 = arith.constant 0 : i32
    %dma_start3A_310 = arith.constant 0 : i32
    %dma_start3A_311 = tpu.memref_slice %arg6[%dma_start3A_300, %dma_start3A_309, %dma_start3A_310] : memref<8x64x128xf32, #tpu.memory_space<vmem>> -> memref<1x64x128xf32, #tpu.memory_space<vmem>>
    %dma_start3A_312 = tpu.memref_squeeze %dma_start3A_311 : memref<1x64x128xf32, #tpu.memory_space<vmem>> -> memref<64x128xf32, #tpu.memory_space<vmem>>
    tpu.enqueue_dma source(%dma_start3A_312 : memref<64x128xf32, #tpu.memory_space<vmem>>) target(%dma_start3A_308 : memref<64x128xf32, #tpu.memory_space<hbm>>) target_semaphore(%arg22 : memref<!tpu.dma_semaphore, #tpu.memory_space<semaphore_mem>>)
    %dma_wait3A_313 = arith.constant 7 : i32
    %dma_wait3A_314 = arith.constant 0 : i32
    %dma_wait3A_315 = arith.constant 0 : i32
    %dma_wait3A_316 = tpu.memref_slice %arg6[%dma_wait3A_313, %dma_wait3A_314, %dma_wait3A_315] : memref<8x64x128xf32, #tpu.memory_space<vmem>> -> memref<1x64x128xf32, #tpu.memory_space<vmem>>
    %dma_wait3A_317 = tpu.memref_squeeze %dma_wait3A_316 : memref<1x64x128xf32, #tpu.memory_space<vmem>> -> memref<64x128xf32, #tpu.memory_space<vmem>>
    %dma_wait3A_318 = arith.constant 0 : i32
    %dma_wait3A_319 = arith.constant 0 : i32
    %dma_wait3A_320 = tpu.memref_slice %arg7[%dma_wait3A_318, %dma_wait3A_319] : memref<1000x128xf32, #tpu.memory_space<vmem_shared>> -> memref<64x128xf32, #tpu.memory_space<vmem_shared>>
    %dma_wait3A_321 = arith.constant 0 : i32
    %dma_wait3A_322 = arith.constant 0 : i32
    %dma_wait3A_323 = tpu.memref_slice %arg6[%dma_wait3A_313, %dma_wait3A_321, %dma_wait3A_322] : memref<8x64x128xf32, #tpu.memory_space<vmem>> -> memref<1x64x128xf32, #tpu.memory_space<vmem>>
    %dma_wait3A_324 = tpu.memref_squeeze %dma_wait3A_323 : memref<1x64x128xf32, #tpu.memory_space<vmem>> -> memref<64x128xf32, #tpu.memory_space<vmem>>
    %dma_wait3A_325 = arith.constant 0 : i32
    %dma_wait3A_326 = arith.constant 0 : i32
    %dma_wait3A_327 = tpu.memref_slice %arg7[%dma_wait3A_325, %dma_wait3A_326] : memref<1000x128xf32, #tpu.memory_space<vmem_shared>> -> memref<64x128xf32, #tpu.memory_space<vmem_shared>>
    tpu.wait_dma2 semaphore(%arg15 : memref<!tpu.dma_semaphore, #tpu.memory_space<semaphore_mem>>) src(%dma_wait3A_327 : memref<64x128xf32, #tpu.memory_space<vmem_shared>>) dst(%dma_wait3A_324 : memref<64x128xf32, #tpu.memory_space<vmem>>)
    %add3A_328 = arith.constant 25536 : i32
    %add3A_329 = arith.addi %mul3A_2, %add3A_328 : i32
    %dma_start3A_330 = arith.constant 7 : i32
    %dma_start3A_331 = arith.constant 0 : i32
    %dma_start3A_332 = arith.constant 0 : i32
    %dma_start3A_333 = tpu.memref_slice %arg6[%dma_start3A_330, %dma_start3A_331, %dma_start3A_332] : memref<8x64x128xf32, #tpu.memory_space<vmem>> -> memref<1x64x128xf32, #tpu.memory_space<vmem>>
    %dma_start3A_334 = tpu.memref_squeeze %dma_start3A_333 : memref<1x64x128xf32, #tpu.memory_space<vmem>> -> memref<64x128xf32, #tpu.memory_space<vmem>>
    %dma_start3A_335 = arith.constant 0 : i32
    %dma_start3A_336 = tpu.memref_slice %arg4[%add3A_329, %dma_start3A_335] : memref<819200x128xf32, #tpu.memory_space<hbm>> -> memref<64x128xf32, #tpu.memory_space<hbm>>
    %dma_start3A_337 = arith.constant 0 : i32
    %dma_start3A_338 = tpu.memref_slice %arg4[%add3A_329, %dma_start3A_337] : memref<819200x128xf32, #tpu.memory_space<hbm>> -> memref<64x128xf32, #tpu.memory_space<hbm>>
    %dma_start3A_339 = arith.constant 0 : i32
    %dma_start3A_340 = arith.constant 0 : i32
    %dma_start3A_341 = tpu.memref_slice %arg6[%dma_start3A_330, %dma_start3A_339, %dma_start3A_340] : memref<8x64x128xf32, #tpu.memory_space<vmem>> -> memref<1x64x128xf32, #tpu.memory_space<vmem>>
    %dma_start3A_342 = tpu.memref_squeeze %dma_start3A_341 : memref<1x64x128xf32, #tpu.memory_space<vmem>> -> memref<64x128xf32, #tpu.memory_space<vmem>>
    tpu.enqueue_dma source(%dma_start3A_342 : memref<64x128xf32, #tpu.memory_space<vmem>>) target(%dma_start3A_338 : memref<64x128xf32, #tpu.memory_space<hbm>>) target_semaphore(%arg23 : memref<!tpu.dma_semaphore, #tpu.memory_space<semaphore_mem>>)
    %dma_wait3A_343 = arith.constant 0 : i32
    %dma_wait3A_344 = arith.constant 0 : i32
    %dma_wait3A_345 = arith.constant 0 : i32
    %dma_wait3A_346 = tpu.memref_slice %arg6[%dma_wait3A_343, %dma_wait3A_344, %dma_wait3A_345] : memref<8x64x128xf32, #tpu.memory_space<vmem>> -> memref<1x64x128xf32, #tpu.memory_space<vmem>>
    %dma_wait3A_347 = tpu.memref_squeeze %dma_wait3A_346 : memref<1x64x128xf32, #tpu.memory_space<vmem>> -> memref<64x128xf32, #tpu.memory_space<vmem>>
    %dma_wait3A_348 = arith.constant 0 : i32
    %dma_wait3A_349 = tpu.memref_slice %arg4[%mul3A_2, %dma_wait3A_348] : memref<819200x128xf32, #tpu.memory_space<hbm>> -> memref<64x128xf32, #tpu.memory_space<hbm>>
    %dma_wait3A_350 = arith.constant 0 : i32
    %dma_wait3A_351 = tpu.memref_slice %arg4[%mul3A_2, %dma_wait3A_350] : memref<819200x128xf32, #tpu.memory_space<hbm>> -> memref<64x128xf32, #tpu.memory_space<hbm>>
    %dma_wait3A_352 = arith.constant 0 : i32
    %dma_wait3A_353 = arith.constant 0 : i32
    %dma_wait3A_354 = tpu.memref_slice %arg6[%dma_wait3A_343, %dma_wait3A_352, %dma_wait3A_353] : memref<8x64x128xf32, #tpu.memory_space<vmem>> -> memref<1x64x128xf32, #tpu.memory_space<vmem>>
    %dma_wait3A_355 = tpu.memref_squeeze %dma_wait3A_354 : memref<1x64x128xf32, #tpu.memory_space<vmem>> -> memref<64x128xf32, #tpu.memory_space<vmem>>
    tpu.wait_dma2 semaphore(%arg16 : memref<!tpu.dma_semaphore, #tpu.memory_space<semaphore_mem>>) src(%dma_wait3A_355 : memref<64x128xf32, #tpu.memory_space<vmem>>) dst(%dma_wait3A_351 : memref<64x128xf32, #tpu.memory_space<hbm>>)
    %dma_wait3A_356 = arith.constant 1 : i32
    %dma_wait3A_357 = arith.constant 0 : i32
    %dma_wait3A_358 = arith.constant 0 : i32
    %dma_wait3A_359 = tpu.memref_slice %arg6[%dma_wait3A_356, %dma_wait3A_357, %dma_wait3A_358] : memref<8x64x128xf32, #tpu.memory_space<vmem>> -> memref<1x64x128xf32, #tpu.memory_space<vmem>>
    %dma_wait3A_360 = tpu.memref_squeeze %dma_wait3A_359 : memref<1x64x128xf32, #tpu.memory_space<vmem>> -> memref<64x128xf32, #tpu.memory_space<vmem>>
    %dma_wait3A_361 = arith.constant 0 : i32
    %dma_wait3A_362 = tpu.memref_slice %arg4[%mul3A_2, %dma_wait3A_361] : memref<819200x128xf32, #tpu.memory_space<hbm>> -> memref<64x128xf32, #tpu.memory_space<hbm>>
    %dma_wait3A_363 = arith.constant 0 : i32
    %dma_wait3A_364 = tpu.memref_slice %arg4[%mul3A_2, %dma_wait3A_363] : memref<819200x128xf32, #tpu.memory_space<hbm>> -> memref<64x128xf32, #tpu.memory_space<hbm>>
    %dma_wait3A_365 = arith.constant 0 : i32
    %dma_wait3A_366 = arith.constant 0 : i32
    %dma_wait3A_367 = tpu.memref_slice %arg6[%dma_wait3A_356, %dma_wait3A_365, %dma_wait3A_366] : memref<8x64x128xf32, #tpu.memory_space<vmem>> -> memref<1x64x128xf32, #tpu.memory_space<vmem>>
    %dma_wait3A_368 = tpu.memref_squeeze %dma_wait3A_367 : memref<1x64x128xf32, #tpu.memory_space<vmem>> -> memref<64x128xf32, #tpu.memory_space<vmem>>
    tpu.wait_dma2 semaphore(%arg17 : memref<!tpu.dma_semaphore, #tpu.memory_space<semaphore_mem>>) src(%dma_wait3A_368 : memref<64x128xf32, #tpu.memory_space<vmem>>) dst(%dma_wait3A_364 : memref<64x128xf32, #tpu.memory_space<hbm>>)
    %dma_wait3A_369 = arith.constant 2 : i32
    %dma_wait3A_370 = arith.constant 0 : i32
    %dma_wait3A_371 = arith.constant 0 : i32
    %dma_wait3A_372 = tpu.memref_slice %arg6[%dma_wait3A_369, %dma_wait3A_370, %dma_wait3A_371] : memref<8x64x128xf32, #tpu.memory_space<vmem>> -> memref<1x64x128xf32, #tpu.memory_space<vmem>>
    %dma_wait3A_373 = tpu.memref_squeeze %dma_wait3A_372 : memref<1x64x128xf32, #tpu.memory_space<vmem>> -> memref<64x128xf32, #tpu.memory_space<vmem>>
    %dma_wait3A_374 = arith.constant 0 : i32
    %dma_wait3A_375 = tpu.memref_slice %arg4[%mul3A_2, %dma_wait3A_374] : memref<819200x128xf32, #tpu.memory_space<hbm>> -> memref<64x128xf32, #tpu.memory_space<hbm>>
    %dma_wait3A_376 = arith.constant 0 : i32
    %dma_wait3A_377 = tpu.memref_slice %arg4[%mul3A_2, %dma_wait3A_376] : memref<819200x128xf32, #tpu.memory_space<hbm>> -> memref<64x128xf32, #tpu.memory_space<hbm>>
    %dma_wait3A_378 = arith.constant 0 : i32
    %dma_wait3A_379 = arith.constant 0 : i32
    %dma_wait3A_380 = tpu.memref_slice %arg6[%dma_wait3A_369, %dma_wait3A_378, %dma_wait3A_379] : memref<8x64x128xf32, #tpu.memory_space<vmem>> -> memref<1x64x128xf32, #tpu.memory_space<vmem>>
    %dma_wait3A_381 = tpu.memref_squeeze %dma_wait3A_380 : memref<1x64x128xf32, #tpu.memory_space<vmem>> -> memref<64x128xf32, #tpu.memory_space<vmem>>
    tpu.wait_dma2 semaphore(%arg18 : memref<!tpu.dma_semaphore, #tpu.memory_space<semaphore_mem>>) src(%dma_wait3A_381 : memref<64x128xf32, #tpu.memory_space<vmem>>) dst(%dma_wait3A_377 : memref<64x128xf32, #tpu.memory_space<hbm>>)
    %dma_wait3A_382 = arith.constant 3 : i32
    %dma_wait3A_383 = arith.constant 0 : i32
    %dma_wait3A_384 = arith.constant 0 : i32
    %dma_wait3A_385 = tpu.memref_slice %arg6[%dma_wait3A_382, %dma_wait3A_383, %dma_wait3A_384] : memref<8x64x128xf32, #tpu.memory_space<vmem>> -> memref<1x64x128xf32, #tpu.memory_space<vmem>>
    %dma_wait3A_386 = tpu.memref_squeeze %dma_wait3A_385 : memref<1x64x128xf32, #tpu.memory_space<vmem>> -> memref<64x128xf32, #tpu.memory_space<vmem>>
    %dma_wait3A_387 = arith.constant 0 : i32
    %dma_wait3A_388 = tpu.memref_slice %arg4[%mul3A_2, %dma_wait3A_387] : memref<819200x128xf32, #tpu.memory_space<hbm>> -> memref<64x128xf32, #tpu.memory_space<hbm>>
    %dma_wait3A_389 = arith.constant 0 : i32
    %dma_wait3A_390 = tpu.memref_slice %arg4[%mul3A_2, %dma_wait3A_389] : memref<819200x128xf32, #tpu.memory_space<hbm>> -> memref<64x128xf32, #tpu.memory_space<hbm>>
    %dma_wait3A_391 = arith.constant 0 : i32
    %dma_wait3A_392 = arith.constant 0 : i32
    %dma_wait3A_393 = tpu.memref_slice %arg6[%dma_wait3A_382, %dma_wait3A_391, %dma_wait3A_392] : memref<8x64x128xf32, #tpu.memory_space<vmem>> -> memref<1x64x128xf32, #tpu.memory_space<vmem>>
    %dma_wait3A_394 = tpu.memref_squeeze %dma_wait3A_393 : memref<1x64x128xf32, #tpu.memory_space<vmem>> -> memref<64x128xf32, #tpu.memory_space<vmem>>
    tpu.wait_dma2 semaphore(%arg19 : memref<!tpu.dma_semaphore, #tpu.memory_space<semaphore_mem>>) src(%dma_wait3A_394 : memref<64x128xf32, #tpu.memory_space<vmem>>) dst(%dma_wait3A_390 : memref<64x128xf32, #tpu.memory_space<hbm>>)
    %dma_wait3A_395 = arith.constant 4 : i32
    %dma_wait3A_396 = arith.constant 0 : i32
    %dma_wait3A_397 = arith.constant 0 : i32
    %dma_wait3A_398 = tpu.memref_slice %arg6[%dma_wait3A_395, %dma_wait3A_396, %dma_wait3A_397] : memref<8x64x128xf32, #tpu.memory_space<vmem>> -> memref<1x64x128xf32, #tpu.memory_space<vmem>>
    %dma_wait3A_399 = tpu.memref_squeeze %dma_wait3A_398 : memref<1x64x128xf32, #tpu.memory_space<vmem>> -> memref<64x128xf32, #tpu.memory_space<vmem>>
    %dma_wait3A_400 = arith.constant 0 : i32
    %dma_wait3A_401 = tpu.memref_slice %arg4[%mul3A_2, %dma_wait3A_400] : memref<819200x128xf32, #tpu.memory_space<hbm>> -> memref<64x128xf32, #tpu.memory_space<hbm>>
    %dma_wait3A_402 = arith.constant 0 : i32
    %dma_wait3A_403 = tpu.memref_slice %arg4[%mul3A_2, %dma_wait3A_402] : memref<819200x128xf32, #tpu.memory_space<hbm>> -> memref<64x128xf32, #tpu.memory_space<hbm>>
    %dma_wait3A_404 = arith.constant 0 : i32
    %dma_wait3A_405 = arith.constant 0 : i32
    %dma_wait3A_406 = tpu.memref_slice %arg6[%dma_wait3A_395, %dma_wait3A_404, %dma_wait3A_405] : memref<8x64x128xf32, #tpu.memory_space<vmem>> -> memref<1x64x128xf32, #tpu.memory_space<vmem>>
    %dma_wait3A_407 = tpu.memref_squeeze %dma_wait3A_406 : memref<1x64x128xf32, #tpu.memory_space<vmem>> -> memref<64x128xf32, #tpu.memory_space<vmem>>
    tpu.wait_dma2 semaphore(%arg20 : memref<!tpu.dma_semaphore, #tpu.memory_space<semaphore_mem>>) src(%dma_wait3A_407 : memref<64x128xf32, #tpu.memory_space<vmem>>) dst(%dma_wait3A_403 : memref<64x128xf32, #tpu.memory_space<hbm>>)
    %dma_wait3A_408 = arith.constant 5 : i32
    %dma_wait3A_409 = arith.constant 0 : i32
    %dma_wait3A_410 = arith.constant 0 : i32
    %dma_wait3A_411 = tpu.memref_slice %arg6[%dma_wait3A_408, %dma_wait3A_409, %dma_wait3A_410] : memref<8x64x128xf32, #tpu.memory_space<vmem>> -> memref<1x64x128xf32, #tpu.memory_space<vmem>>
    %dma_wait3A_412 = tpu.memref_squeeze %dma_wait3A_411 : memref<1x64x128xf32, #tpu.memory_space<vmem>> -> memref<64x128xf32, #tpu.memory_space<vmem>>
    %dma_wait3A_413 = arith.constant 0 : i32
    %dma_wait3A_414 = tpu.memref_slice %arg4[%mul3A_2, %dma_wait3A_413] : memref<819200x128xf32, #tpu.memory_space<hbm>> -> memref<64x128xf32, #tpu.memory_space<hbm>>
    %dma_wait3A_415 = arith.constant 0 : i32
    %dma_wait3A_416 = tpu.memref_slice %arg4[%mul3A_2, %dma_wait3A_415] : memref<819200x128xf32, #tpu.memory_space<hbm>> -> memref<64x128xf32, #tpu.memory_space<hbm>>
    %dma_wait3A_417 = arith.constant 0 : i32
    %dma_wait3A_418 = arith.constant 0 : i32
    %dma_wait3A_419 = tpu.memref_slice %arg6[%dma_wait3A_408, %dma_wait3A_417, %dma_wait3A_418] : memref<8x64x128xf32, #tpu.memory_space<vmem>> -> memref<1x64x128xf32, #tpu.memory_space<vmem>>
    %dma_wait3A_420 = tpu.memref_squeeze %dma_wait3A_419 : memref<1x64x128xf32, #tpu.memory_space<vmem>> -> memref<64x128xf32, #tpu.memory_space<vmem>>
    tpu.wait_dma2 semaphore(%arg21 : memref<!tpu.dma_semaphore, #tpu.memory_space<semaphore_mem>>) src(%dma_wait3A_420 : memref<64x128xf32, #tpu.memory_space<vmem>>) dst(%dma_wait3A_416 : memref<64x128xf32, #tpu.memory_space<hbm>>)
    %dma_wait3A_421 = arith.constant 6 : i32
    %dma_wait3A_422 = arith.constant 0 : i32
    %dma_wait3A_423 = arith.constant 0 : i32
    %dma_wait3A_424 = tpu.memref_slice %arg6[%dma_wait3A_421, %dma_wait3A_422, %dma_wait3A_423] : memref<8x64x128xf32, #tpu.memory_space<vmem>> -> memref<1x64x128xf32, #tpu.memory_space<vmem>>
    %dma_wait3A_425 = tpu.memref_squeeze %dma_wait3A_424 : memref<1x64x128xf32, #tpu.memory_space<vmem>> -> memref<64x128xf32, #tpu.memory_space<vmem>>
    %dma_wait3A_426 = arith.constant 0 : i32
    %dma_wait3A_427 = tpu.memref_slice %arg4[%mul3A_2, %dma_wait3A_426] : memref<819200x128xf32, #tpu.memory_space<hbm>> -> memref<64x128xf32, #tpu.memory_space<hbm>>
    %dma_wait3A_428 = arith.constant 0 : i32
    %dma_wait3A_429 = tpu.memref_slice %arg4[%mul3A_2, %dma_wait3A_428] : memref<819200x128xf32, #tpu.memory_space<hbm>> -> memref<64x128xf32, #tpu.memory_space<hbm>>
    %dma_wait3A_430 = arith.constant 0 : i32
    %dma_wait3A_431 = arith.constant 0 : i32
    %dma_wait3A_432 = tpu.memref_slice %arg6[%dma_wait3A_421, %dma_wait3A_430, %dma_wait3A_431] : memref<8x64x128xf32, #tpu.memory_space<vmem>> -> memref<1x64x128xf32, #tpu.memory_space<vmem>>
    %dma_wait3A_433 = tpu.memref_squeeze %dma_wait3A_432 : memref<1x64x128xf32, #tpu.memory_space<vmem>> -> memref<64x128xf32, #tpu.memory_space<vmem>>
    tpu.wait_dma2 semaphore(%arg22 : memref<!tpu.dma_semaphore, #tpu.memory_space<semaphore_mem>>) src(%dma_wait3A_433 : memref<64x128xf32, #tpu.memory_space<vmem>>) dst(%dma_wait3A_429 : memref<64x128xf32, #tpu.memory_space<hbm>>)
    %dma_wait3A_434 = arith.constant 7 : i32
    %dma_wait3A_435 = arith.constant 0 : i32
    %dma_wait3A_436 = arith.constant 0 : i32
    %dma_wait3A_437 = tpu.memref_slice %arg6[%dma_wait3A_434, %dma_wait3A_435, %dma_wait3A_436] : memref<8x64x128xf32, #tpu.memory_space<vmem>> -> memref<1x64x128xf32, #tpu.memory_space<vmem>>
    %dma_wait3A_438 = tpu.memref_squeeze %dma_wait3A_437 : memref<1x64x128xf32, #tpu.memory_space<vmem>> -> memref<64x128xf32, #tpu.memory_space<vmem>>
    %dma_wait3A_439 = arith.constant 0 : i32
    %dma_wait3A_440 = tpu.memref_slice %arg4[%mul3A_2, %dma_wait3A_439] : memref<819200x128xf32, #tpu.memory_space<hbm>> -> memref<64x128xf32, #tpu.memory_space<hbm>>
    %dma_wait3A_441 = arith.constant 0 : i32
    %dma_wait3A_442 = tpu.memref_slice %arg4[%mul3A_2, %dma_wait3A_441] : memref<819200x128xf32, #tpu.memory_space<hbm>> -> memref<64x128xf32, #tpu.memory_space<hbm>>
    %dma_wait3A_443 = arith.constant 0 : i32
    %dma_wait3A_444 = arith.constant 0 : i32
    %dma_wait3A_445 = tpu.memref_slice %arg6[%dma_wait3A_434, %dma_wait3A_443, %dma_wait3A_444] : memref<8x64x128xf32, #tpu.memory_space<vmem>> -> memref<1x64x128xf32, #tpu.memory_space<vmem>>
    %dma_wait3A_446 = tpu.memref_squeeze %dma_wait3A_445 : memref<1x64x128xf32, #tpu.memory_space<vmem>> -> memref<64x128xf32, #tpu.memory_space<vmem>>
    tpu.wait_dma2 semaphore(%arg23 : memref<!tpu.dma_semaphore, #tpu.memory_space<semaphore_mem>>) src(%dma_wait3A_446 : memref<64x128xf32, #tpu.memory_space<vmem>>) dst(%dma_wait3A_442 : memref<64x128xf32, #tpu.memory_space<hbm>>)
    return
  }
}

</mosaic_0001>

<sc_bundles>
// kernel: kernel.3.cloned.1.call-start
scs
__scs_entry_jumppad:
0x0: {  	(pc) =	sbr.rel $0x88, $3  }
0x1: {  	(tag) =	ssettag $0x0;
	lr =	simm.s32 $0x1  }
0x2: {  	[smem:$0x3F9F] =	sst lr;
	_ =	strace $0xD0000000  }
0x3: {  	_ = 	snop  }
0x4: {  	_ = 	snop  }
0x5: {  	_ = 	snop  }
0x6: {  	_ = 	snop  }
0x7: {  	_ = 	snop  }
__scs_overlays_trampoline_lowered:
0x8: {  	[smem:$0x3FAE] =	sst s0  }
0x9: {  	[smem:$0x3FAF] =	sst s1  }
0xa: {  	[smem:$0x3FB0] =	sst s2  }
0xb: {  	[smem:$0x3FB1] =	sst s3  }
0xc: {  	[smem:$0x3FB2] =	sst s4  }
0xd: {  	[smem:$0x3FB3] =	sst s5  }
0xe: {  	[smem:$0x3FB4] =	sst s6  }
0xf: {  	[smem:$0x3FB5] =	sst s7  }
0x10: {  	[smem:$0x3FB6] =	sst s8  }
0x11: {  	[smem:$0x3FB7] =	sst s9;
	s0 =	simm.s32 @!p0 $0x0  }
0x12: {  	s1 =	sld [smem:$0x3F9D];
	s0 =	simm.s32 @p0 $0x1  }
0x13: {  	[smem:$0x3FB8] =	sst s0;
	s0 =	simm.s32 @!p1 $0x0  }
0x14: {  	s2 =	sld [smem:$0x3F9C];
	s0 =	simm.s32 @p1 $0x1  }
0x15: {  	[smem:$0x3FB9] =	sst s0;
	s0 =	simm.s32 @!p2 $0x0  }
0x16: {  	s3 =	sld [smem:$0x3FDB];
	s0 =	simm.s32 @p2 $0x1  }
0x17: {  	s4 =	simm.s32 $0x1BF5;
	[smem:$0x3FBB] =	sst s0  }
0x18: {  	s0 =	sld [smem:$0x3F9E];
	_ =	swait.ge [sflag:s4], $0x0  }
0x19: {  	s7 =	sld [smem:$0x3F9F]  }
0x1a: {  	s8 =	sadd.s32 $0xFFFFE003, lr  }
0x1b: {  	s9 =	sadd.s32 $0xFFFFFEF7, lr;
	s5 =	simm.s32 $0xFFFFFFFF;
	p2 =	slt.u32 s8, $0xFFFFF086  }
0x1c: {  	p1 =	slt.u32 s9, $0xF7A;
	s5 =	simm.s32 @!p2 $0x0  }
0x1d: {  	s5 =	simm.s32 @p1 $0x1;
	p0 =	seq.s32 s7, s2  }
0x1e: {  	s7 =	smul.u32 @!p0 $0xF7A, s2;
	p2 =	seq.s32 @!p0 s5, $0x0  }
0x1f: {  	s9 =	smul.u32 $0xF7A, s1;
	s8 =	simm.s32 @!p0 $0x1BF5;
	p2 =	por !p2, p0  }
0x20: {  	[sflag:s8] =	ssyncset.s32 @!p0 $0xFFFFF086;
	s6 =	sadd.s32 @!p0 s3, s7;
	s7 =	simm.s32 @!p0 $0x108  }
0x21: {  	s3 =	sadd.s32 s3, s9;
	s6 =	sadd.s32 @!p0 $0x88, s6;
	s7 =	simm.s32 @p2 $0x1082  }
0x22: {  	[simem:s7], [sflag:s8] =	dma.local @!p0 [hbm:s6], $0xF7A  }
0x23: {  	s9 =	sor.u32 $0xD0000000, s2;
	s6 =	simm.s32 $0x108;
	_ =	swait.ge @!p0 [sflag:s8], $0x0  }
0x24: {  	s3 =	sadd.s32 $0x88, s3;
	s6 =	simm.s32 @!p1 $0x1082;
	[sflag:s4] =	ssyncset.s32 $0xFFFFF086  }
0x25: {  	[simem:s6], [sflag:s4] =	dma.local [hbm:s3], $0xF7A  }
0x26: {  	[smem:$0x3F9F] =	sst s1;
	(tag) =	ssettag s2;
	_ =	strace s9  }
0x27: {  	s1 =	sld [smem:$0x3FAF]  }
0x28: {  	s2 =	sld [smem:$0x3FB0]  }
0x29: {  	s4 =	sld [smem:$0x3FB2]  }
0x2a: {  	p0 =	seq.s32 s5, $0x0;
	s5 =	sld [smem:$0x3FB3]  }
0x2b: {  	s6 =	sld [smem:$0x3FB4]  }
0x2c: {  	s7 =	sld [smem:$0x3FB5]  }
0x2d: {  	s3 =	simm.s32 $0x108;
	s8 =	sld [smem:$0x3FB6]  }
0x2e: {  	s3 =	simm.s32 @!p0 $0x1082;
	s9 =	sld [smem:$0x3FB7]  }
0x2f: {  	lr =	sadd.s32 s0, s3;
	s0 =	sld [smem:$0x3FAE]  }
0x30: {  	s3 =	sld [smem:$0x3FB1]  }
0x31: {  	[smem:$0x3FBA] =	sst s10  }
0x32: {  	s10 =	sld [smem:$0x3FB8];
	_ =	sdelay $0x3  }
0x33: {  	p0 =	seq.s32 s10, $0x1;
	s10 =	sld [smem:$0x3FBA];
	_ =	sdelay $0x3  }
0x34: {  	[smem:$0x3FBA] =	sst s10  }
0x35: {  	s10 =	sld [smem:$0x3FB9];
	_ =	sdelay $0x3  }
0x36: {  	p1 =	seq.s32 s10, $0x1;
	s10 =	sld [smem:$0x3FBA];
	_ =	sdelay $0x3  }
0x37: {  	[smem:$0x3FBA] =	sst s10  }
0x38: {  	s10 =	sld [smem:$0x3FBB]  }
0x39: {  	_ = 	snop;
	(pc) =	sbr.ind lr, $3  }
0x3a: {  	_ = 	snop  }
0x3b: {  	_ = 	snop  }
0x3c: {  	p2 =	seq.s32 s10, $0x1;
	s10 =	sld [smem:$0x3FBA]  }
0x3d: {  	_ =	shalt  }
0x3e: {  	_ =	shalt  }
0x3f: {  	_ =	shalt  }
0x40: {  	_ =	shalt  }
0x41: {  	_ =	shalt  }
0x42: {  	_ =	shalt  }
0x43: {  	_ =	shalt  }
0x44: {  	_ =	shalt  }
0x45: {  	_ =	shalt  }
0x46: {  	_ =	shalt  }
0x47: {  	_ =	shalt  }
0x48: {  	_ =	shalt  }
0x49: {  	_ =	shalt  }
0x4a: {  	_ =	shalt  }
0x4b: {  	_ =	shalt  }
0x4c: {  	_ =	shalt  }
0x4d: {  	_ =	shalt  }
0x4e: {  	_ =	shalt  }
0x4f: {  	_ =	shalt  }
0x50: {  	_ =	shalt  }
0x51: {  	_ =	shalt  }
0x52: {  	_ =	shalt  }
0x53: {  	_ =	shalt  }
0x54: {  	_ =	shalt  }
0x55: {  	_ =	shalt  }
0x56: {  	_ =	shalt  }
0x57: {  	_ =	shalt  }
0x58: {  	_ =	shalt  }
0x59: {  	_ =	shalt  }
0x5a: {  	_ =	shalt  }
0x5b: {  	_ =	shalt  }
0x5c: {  	_ =	shalt  }
0x5d: {  	_ =	shalt  }
0x5e: {  	_ =	shalt  }
0x5f: {  	_ =	shalt  }
0x60: {  	_ =	shalt  }
0x61: {  	_ =	shalt  }
0x62: {  	_ =	shalt  }
0x63: {  	_ =	shalt  }
0x64: {  	_ =	shalt  }
0x65: {  	_ =	shalt  }
0x66: {  	_ =	shalt  }
0x67: {  	_ =	shalt  }
0x68: {  	_ =	shalt  }
0x69: {  	_ =	shalt  }
0x6a: {  	_ =	shalt  }
0x6b: {  	_ =	shalt  }
0x6c: {  	_ =	shalt  }
0x6d: {  	_ =	shalt  }
0x6e: {  	_ =	shalt  }
0x6f: {  	_ =	shalt  }
0x70: {  	_ =	shalt  }
0x71: {  	_ =	shalt  }
0x72: {  	_ =	shalt  }
0x73: {  	_ =	shalt  }
0x74: {  	_ =	shalt  }
0x75: {  	_ =	shalt  }
0x76: {  	_ =	shalt  }
0x77: {  	_ =	shalt  }
0x78: {  	_ =	shalt  }
0x79: {  	_ =	shalt  }
0x7a: {  	_ =	shalt  }
0x7b: {  	_ =	shalt  }
0x7c: {  	_ =	shalt  }
0x7d: {  	_ =	shalt  }
0x7e: {  	_ =	shalt  }
0x7f: {  	_ =	shalt  }
0x80: {  	_ =	shalt  }
0x81: {  	_ =	shalt  }
0x82: {  	_ =	shalt  }
0x83: {  	_ =	shalt  }
0x84: {  	_ =	shalt  }
0x85: {  	_ =	shalt  }
0x86: {  	_ =	shalt  }
0x87: {  	_ =	shalt  }
.Lfunc_end0:
.L_simem_size_0:
called_computation_lowered:
.L_overlay_start_0:
0x88: {  	s2 =	sld [smem:$0x3FD9]  }
0x89: {  	s3 =	sld [smem:$0x3FFE];
	_ =	sdelay $0x1  }
0x8a: {  	s1 =	srdreg.scid  }
0x8b: {  	s0 =	sand.u32 $0x1, s1  }
0x8c: {  	s17 =	sshll.u32 s0, $0xA;
	s2 =	sadd.s32 s3, s2  }
0x8d: {  	s2 =	sadd.s32 s2, s17  }
0x8e: {  	[smem:$0x3FC6] =	sst s2  }
0x8f: {  	_ = 	snop  }
0x90: {  	s2 =	sld [smem:$0x3FC8]  }
0x91: {  	s18 =	sld [smem:$0x3FD0];
	(tm) =	ssettm $0x1  }
0x92: {  	s4 =	sld [smem:$0x3FFB];
	_ =	sdelay $0x3  }
0x93: {  	_ =	strace s4  }
0x94: {  	s4 =	sld [smem:$0x3FFC];
	_ =	sdelay $0x3  }
0x95: {  	_ =	strace s4  }
0x96: {  	s4 =	sld [smem:$0x3FFD];
	_ =	sdelay $0x3  }
0x97: {  	_ =	strace s4  }
0x98: {  	_ =	strace $0x8FFFFFFF  }
0x99: {  	s19 =	sld [smem:$0x3FDB];
	_ =	sdelay $0x1  }
0x9a: {  	s5 =	simm.s32 $_scs_section_size  }
0x9b: {  	s6 =	simm.s32 $_size__tile_overlayer_lowered;
	s7 =	simm.s32 $_tile_overlayer_lowered  }
0x9c: {  	s22 =	simm.s32 $0x1BFF;
	s21 =	sshll.u32 s7, $0x1;
	s4 =	sadd.s32 s5, s19  }
0x9d: {  	s8 =	simm.s32 $0x0;
	s20 =	sshll.u32 s6, $0x1;
	s6 =	sadd.s32 s21, s4  }
0x9e: {  	[timem:s8], [sflag:s22] =	dma.local [hbm:s6], s20  }
0x9f: {  	_ =	swait.ge [sflag:s22], s20  }
0xa0: {  	s5 =	ssub.s32 $0x0, s20;
	[sflag:s22] =	ssyncset.done $0x0  }
0xa1: {  	[sflag:s22] =	ssyncadd.s32 s5;
	_ =	sdelay $0x1  }
0xa2: {  	s23 =	simm.s32 $0x1B8B  }
0xa3: {  	_ =	swait.ge [sflag:s23], $0x1  }
0xa4: {  	[sflag:s23] =	ssyncset.done $0x0  }
0xa5: {  	s25 =	simm.s32 $0x1B8E;
	s24 =	sld [smem:$0x3FFE];
	[sflag:s23] =	ssyncadd.s32 $0xFFFFFFFF  }
0xa6: {  	s26 =	simm.s32 $execute0_lowered;
	[smem:$0x3FD2] =	sst s25  }
0xa7: {  	s6 =	sshll.u32 s26, $0x1;
	_ =	strace $0x80000046;
	[dreg:$0x1] =	wrdreg $0xFFFFFFFF  }
0xa8: {  	s28 =	simm.s32 $_size_execute0_lowered;
	s4 =	sadd.s32 s4, s6;
	[dreg:$0x0] =	wrdreg $0x0  }
0xa9: {  	s6 =	sshll.u32 s28, $0x1;
	[dreg:$0x2] =	wrdreg s4  }
0xaa: {  	[dreg:$0x3] =	wrdreg s6  }
0xab: {  	[dreg:$0x4] =	wrdreg $0xC0  }
0xac: {  	_ =	task [dreg:s8], $0x5FFFF  }
0xad: {  	[dreg:$0x1] =	wrdreg $0xFFFFFFFF  }
0xae: {  	[dreg:$0x0] =	wrdreg $0x60  }
0xaf: {  	[dreg:$0x2] =	wrdreg s24  }
0xb0: {  	[dreg:$0x3] =	wrdreg s2  }
0xb1: {  	[dreg:$0x4] =	wrdreg s18  }
0xb2: {  	[dreg:$0x5] =	wrdreg $0x1C8000  }
0xb3: {  	[dreg:$0x6] =	wrdreg $0x9  }
0xb4: {  	_ =	task.clear_ibuf [dreg:s8], $0x7FFFF;
	_ =	strace $0x90000046  }
0xb5: {  	s29 =	simm.s32 $0x9;
	_ =	strace $0x80000048  }
0xb6: {  	_ =	swait.ge [sflag:s29], $0x1  }
0xb7: {  	[sflag:s29] =	ssyncadd.s32 $0xFFFFFFFF  }
0xb8: {  	_ =	strace $0x90000048  }
0xb9: {  	_ =	sfence  }
0xba: {  	s30 =	sld [smem:$0x0];
	_ =	sdelay $0x2  }
0xbb: {  	s31 =	sshll.u32 s1, $0xD;
	s1 =	sshrl.u32 s1, $0x2  }
0xbc: {  	s3 =	sand.u32 $0x4000, s31;
	s1 =	sadd.s32 s1, s30  }
0xbd: {  	s0 =	sor.u32 s3, s0;
	s1 =	sshll.u32 s1, $0x11  }
0xbe: {  	s0 =	sor.u32 s1, s0  }
0xbf: {  	s0 =	sadd.s32 $0x8F2B, s0  }
0xc0: {  	[sflag:s0] =	ssyncadd.remote.s32 $0x1  }
0xc1: {  	_ =	sfence.sel $0xFFFF  }
0xc2: {  	[dreg:$0x0] =	wrdreg $0xFFFFFFFF;
	(pc) =	sbr.abs _section_cstart, $3  }
0xc3: {  	[dreg:$0x1] =	wrdreg $0xFFFFFFFF  }
0xc4: {  	_ =	task.clear_ibuf [dreg:s8], $0x2FFFF;
	_ =	strace $0x9FFFFFFF  }
0xc5: {  	(tm) =	ssettm $0x7FFFFFFF  }
tec
execute0_lowered:
.L_overlay_start_1:
0x0: {  	(tag) =	ssettag $0x1  }
0x1: {  	s0 =	rddreg [dreg:$0x0];
	s1 =	srdreg.scid  }
0x2: {  	s4 =	rddreg [dreg:$0x2];
	s5 =	stileid.u32  }
0x3: {  	s2 =	rddreg [dreg:$0x3];
	s16 =	simm.s32 $0x40;
	s29 =	simm.s32 $0x7  }
0x4: {  	s31 =	simm.s32 $0x8;
	s1 =	sand.u32 $0x1, s1;
	s28 =	smul.u32 $0x64000, s5  }
0x5: {  	s3 =	sshll.u32 s1, $0x4;
	s8 =	ssub.s32 $0x2, s1;
	s19 =	smul.u32 $0x3200000, s1  }
0x6: {  	s1 =	smul.u32 $0x640000, s1;
	s6 =	sor.u32 s5, s3;
	s3 =	simm.s32 $0x0  }
0x7: {  	s9 =	sshrl.u32 s8, $0x1;
	s7 =	smul.u32 $0x320000, s6;
	[smem:$0x7FF] =	sst s3  }
0x8: {  	s6 =	smul.u32 $0x1900, s6;
	s17 =	ssub.s32 s8, s9;
	s1 =	sadd.s32 s1, s4  }
0x9: {  	_ =	strace $0x80000047;
	s30 =	sadd.s32 s28, s1;
	s7 =	sshrl.u32 s7, $0x3  }
0xa: {  	s0 =	sadd.s32 s6, s0;
	s6 =	smax.u32 s17, $0x1;
	[dreg:$0x6] =	wrdreg s30  }
0xb: {  	s7 =	sadd.s32 s4, s7;
	s0 =	sadd.s32 $0x400, s0;
	[dreg:$0x10] =	wrdreg s6  }
0xc: {  	s10 =	simm.s32 $0xF;
	[dreg:$0x7] =	wrdreg s0;
	s18 =	sadd.s32 $0x62000, s7  }
0xd: {  	s11 =	simm.s32 $0x10;
	s20 =	sadd.s32 $0x62400, s7;
	[dreg:$0x8] =	wrdreg s18  }
0xe: {  	s22 =	smul.u32 $0x320000, s5;
	s21 =	sadd.s32 $0x62800, s7;
	[dreg:$0x9] =	wrdreg s20  }
0xf: {  	p0 =	sne.s32 s5, $0x0;
	s23 =	sadd.s32 $0x62C00, s7;
	[dreg:$0xa] =	wrdreg s21  }
0x10: {  	s5 =	simm.s32 $0xA;
	s24 =	sadd.s32 $0x63000, s7;
	[dreg:$0xb] =	wrdreg s23  }
0x11: {  	s8 =	simm.s32 $0xD;
	s25 =	sadd.s32 $0x63400, s7;
	[dreg:$0xc] =	wrdreg s24  }
0x12: {  	s9 =	simm.s32 $0xE;
	s26 =	sadd.s32 $0x63800, s7;
	[dreg:$0xd] =	wrdreg s25  }
0x13: {  	s6 =	simm.s32 $0xB;
	s7 =	sadd.s32 $0x63C00, s7;
	[dreg:$0xe] =	wrdreg s26  }
0x14: {  	s0 =	sadd.s32 s22, s19;
	s22 =	simm.s32 $0x4;
	[dreg:$0xf] =	wrdreg s7  }
0x15: {  	s0 =	sshrl.u32 s0, $0x3;
	s18 =	simm.s32 $0x2;
	s20 =	simm.s32 $0x3  }
0x16: {  	s24 =	simm.s32 $0x5;
	s26 =	simm.s32 $0x6;
	s0 =	sadd.s32 s0, s4  }
0x17: {  	s7 =	simm.s32 $0xC;
	[dreg:$0x5] =	wrdreg s0;
	s0 =	sshrl.u32 @!p0 s2, $0x3  }
0x18: {  	s4 =	simm.s32 $0x9;
	[dreg:$0x11] =	wrdreg s0;
	s0 =	simm.s32 $0x0  }
.LBB2_1:
0x19: {  	[dreg:$0x12] =	wrdreg s0  }
0x1a: {  	s12 =	rddreg [dreg:$0x1]  }
0x1b: {  	s13 =	simm.s32 @!p0 $0x1C11;
	s14 =	rddreg [dreg:$0x11]  }
0x1c: {  	[spmem:s14], [sflag:s13] =	dma.local @!p0 [hbm:s12], $0x3E80  }
0x1d: {  	s13 =	simm.s32 @!p0 $0x11  }
0x1e: {  	_ =	swait.ge @!p0 [sflag:s13], $0x3E80  }
0x1f: {  	[sflag:s13] =	ssyncset.done @!p0 $0x0  }
0x20: {  	s21 =	simm.s32 $0x11;
	s19 =	rddreg [dreg:$0x7];
	[sflag:s13] =	ssyncadd.s32 @!p0 $0xFFFFC180  }
0x21: {  	[tilespmem:s3], [sflag:$0x11] =	stream.linear.gather [hbm4b:s19+s3], $0xC800, $0x38;
	[tilespmem:$0x1E740] =	vst v63  }
0x22: {  	_ =	swait.ge [sflag:s21], $0xC800  }
0x23: {  	[sflag:s21] =	ssyncset.done $0x0  }
0x24: {  	[sflag:s21] =	ssyncadd.s32 $0xFFFF3800  }
0x25: {  	s12 =	simm.s32 $0xC800;
	[bflag:$0x0] =	sbarrier.arrive $0xFFFF  }
0x26: {  	[tilespmem:s12], [sflag:$0x1] =	stream.indirect.gather [spmem:s2], $0x80, s3, s16, $0xb8;
	[tilespmem:$0x1E740] =	vst v63  }
0x27: {  	s23 =	simm.s32 $0x80;
	s15 =	simm.s32 $0xE800  }
0x28: {  	[tilespmem:s15], [sflag:$0x2] =	stream.indirect.gather [spmem:s2], $0x80, s23, s16, $0xb8;
	[tilespmem:$0x1E740] =	vst v63  }
0x29: {  	s25 =	simm.s32 $0x100;
	s17 =	simm.s32 $0x10800  }
0x2a: {  	[tilespmem:s17], [sflag:$0x3] =	stream.indirect.gather [spmem:s2], $0x80, s25, s16, $0xb8;
	[tilespmem:$0x1E740] =	vst v63  }
0x2b: {  	s28 =	simm.s32 $0x180;
	s19 =	simm.s32 $0x12800  }
0x2c: {  	[tilespmem:s19], [sflag:$0x4] =	stream.indirect.gather [spmem:s2], $0x80, s28, s16, $0xb8;
	[tilespmem:$0x1E740] =	vst v63  }
0x2d: {  	s30 =	simm.s32 $0x200;
	s21 =	simm.s32 $0x14800  }
0x2e: {  	[tilespmem:s21], [sflag:$0x5] =	stream.indirect.gather [spmem:s2], $0x80, s30, s16, $0xb8;
	[tilespmem:$0x1E740] =	vst v63  }
0x2f: {  	s0 =	simm.s32 $0x280;
	s23 =	simm.s32 $0x16800  }
0x30: {  	[tilespmem:s23], [sflag:$0x6] =	stream.indirect.gather [spmem:s2], $0x80, s0, s16, $0xb8;
	[tilespmem:$0x1E740] =	vst v63  }
0x31: {  	s1 =	simm.s32 $0x300;
	s25 =	simm.s32 $0x18800  }
0x32: {  	[tilespmem:s25], [sflag:$0x7] =	stream.indirect.gather [spmem:s2], $0x80, s1, s16, $0xb8;
	[tilespmem:$0x1E740] =	vst v63  }
0x33: {  	s14 =	simm.s32 $0x1;
	s0 =	simm.s32 $0x1A800;
	s1 =	simm.s32 $0x380  }
0x34: {  	[tilespmem:s0], [sflag:$0x8] =	stream.indirect.gather [spmem:s2], $0x80, s1, s16, $0xb8;
	[tilespmem:$0x1E740] =	vst v63  }
0x35: {  	_ =	swait.ge [sflag:s14], $0x2000  }
0x36: {  	s28 =	rddreg [dreg:$0x5];
	[sflag:s14] =	ssyncset.done $0x0  }
0x37: {  	[sflag:s14] =	ssyncadd.s32 $0xFFFFE000;
	s13 =	sadd.s32 $0x0, s28  }
0x38: {  	[hbm4b:s13+s3] =	stream.linear.scatter [tilespmem:s12], [sflag:$0x9], $0x2000, $0x38;
	[tilespmem:$0x1E740] =	vst v63  }
0x39: {  	_ =	swait.ge [sflag:s18], $0x2000  }
0x3a: {  	s30 =	rddreg [dreg:$0x6]  }
0x3b: {  	[sflag:s18] =	ssyncset.done $0x0;
	s13 =	sadd.s32 $0x0, s30  }
0x3c: {  	[sflag:s18] =	ssyncadd.s32 $0xFFFFE000;
	s1 =	sadd.s32 $0x400, s13  }
0x3d: {  	[hbm4b:s1+s3] =	stream.linear.scatter [tilespmem:s15], [sflag:$0xA], $0x2000, $0x38;
	[tilespmem:$0x1E740] =	vst v63  }
0x3e: {  	_ =	swait.ge [sflag:s20], $0x2000  }
0x3f: {  	[sflag:s20] =	ssyncset.done $0x0  }
0x40: {  	s28 =	sadd.s32 $0x800, s13;
	[sflag:s20] =	ssyncadd.s32 $0xFFFFE000  }
0x41: {  	[hbm4b:s28+s3] =	stream.linear.scatter [tilespmem:s17], [sflag:$0xB], $0x2000, $0x38;
	[tilespmem:$0x1E740] =	vst v63  }
0x42: {  	_ =	swait.ge [sflag:s22], $0x2000  }
0x43: {  	[sflag:s22] =	ssyncset.done $0x0  }
0x44: {  	s30 =	sadd.s32 $0xC00, s13;
	[sflag:s22] =	ssyncadd.s32 $0xFFFFE000  }
0x45: {  	[hbm4b:s30+s3] =	stream.linear.scatter [tilespmem:s19], [sflag:$0xC], $0x2000, $0x38;
	[tilespmem:$0x1E740] =	vst v63  }
0x46: {  	_ =	swait.ge [sflag:s24], $0x2000  }
0x47: {  	[sflag:s24] =	ssyncset.done $0x0  }
0x48: {  	s1 =	sadd.s32 $0x1000, s13;
	[sflag:s24] =	ssyncadd.s32 $0xFFFFE000  }
0x49: {  	[hbm4b:s1+s3] =	stream.linear.scatter [tilespmem:s21], [sflag:$0xD], $0x2000, $0x38;
	[tilespmem:$0x1E740] =	vst v63  }
0x4a: {  	_ =	swait.ge [sflag:s26], $0x2000  }
0x4b: {  	[sflag:s26] =	ssyncset.done $0x0  }
0x4c: {  	s28 =	sadd.s32 $0x1400, s13;
	[sflag:s26] =	ssyncadd.s32 $0xFFFFE000  }
0x4d: {  	[hbm4b:s28+s3] =	stream.linear.scatter [tilespmem:s23], [sflag:$0xE], $0x2000, $0x38;
	[tilespmem:$0x1E740] =	vst v63  }
0x4e: {  	_ =	swait.ge [sflag:s29], $0x2000  }
0x4f: {  	[sflag:s29] =	ssyncset.done $0x0  }
0x50: {  	s30 =	sadd.s32 $0x1800, s13;
	[sflag:s29] =	ssyncadd.s32 $0xFFFFE000  }
0x51: {  	[hbm4b:s30+s3] =	stream.linear.scatter [tilespmem:s25], [sflag:$0xF], $0x2000, $0x38;
	[tilespmem:$0x1E740] =	vst v63  }
0x52: {  	_ =	swait.ge [sflag:s31], $0x2000  }
0x53: {  	[sflag:s31] =	ssyncset.done $0x0  }
0x54: {  	s13 =	sadd.s32 $0x1C00, s13;
	[sflag:s31] =	ssyncadd.s32 $0xFFFFE000  }
0x55: {  	[hbm4b:s13+s3] =	stream.linear.scatter [tilespmem:s0], [sflag:$0x10], $0x2000, $0x38;
	[tilespmem:$0x1E740] =	vst v63  }
0x56: {  	_ =	swait.ge [sflag:s4], $0x2000  }
0x57: {  	[sflag:s4] =	ssyncset.done $0x0  }
0x58: {  	s1 =	simm.s32 $0x400;
	[sflag:s4] =	ssyncadd.s32 $0xFFFFE000  }
0x59: {  	[tilespmem:s12], [sflag:$0x1] =	stream.indirect.gather [spmem:s2], $0x80, s1, s16, $0xb8;
	[tilespmem:$0x1E740] =	vst v63  }
0x5a: {  	_ =	swait.ge [sflag:s5], $0x2000  }
0x5b: {  	[sflag:s5] =	ssyncset.done $0x0  }
0x5c: {  	s14 =	simm.s32 $0x480;
	[sflag:s5] =	ssyncadd.s32 $0xFFFFE000  }
0x5d: {  	[tilespmem:s15], [sflag:$0x2] =	stream.indirect.gather [spmem:s2], $0x80, s14, s16, $0xb8;
	[tilespmem:$0x1E740] =	vst v63  }
0x5e: {  	_ =	swait.ge [sflag:s6], $0x2000  }
0x5f: {  	[sflag:s6] =	ssyncset.done $0x0  }
0x60: {  	s15 =	simm.s32 $0x500;
	[sflag:s6] =	ssyncadd.s32 $0xFFFFE000  }
0x61: {  	[tilespmem:s17], [sflag:$0x3] =	stream.indirect.gather [spmem:s2], $0x80, s15, s16, $0xb8;
	[tilespmem:$0x1E740] =	vst v63  }
0x62: {  	_ =	swait.ge [sflag:s7], $0x2000  }
0x63: {  	[sflag:s7] =	ssyncset.done $0x0  }
0x64: {  	s17 =	simm.s32 $0x580;
	[sflag:s7] =	ssyncadd.s32 $0xFFFFE000  }
0x65: {  	[tilespmem:s19], [sflag:$0x4] =	stream.indirect.gather [spmem:s2], $0x80, s17, s16, $0xb8;
	[tilespmem:$0x1E740] =	vst v63  }
0x66: {  	_ =	swait.ge [sflag:s8], $0x2000  }
0x67: {  	[sflag:s8] =	ssyncset.done $0x0  }
0x68: {  	s19 =	simm.s32 $0x600;
	[sflag:s8] =	ssyncadd.s32 $0xFFFFE000  }
0x69: {  	[tilespmem:s21], [sflag:$0x5] =	stream.indirect.gather [spmem:s2], $0x80, s19, s16, $0xb8;
	[tilespmem:$0x1E740] =	vst v63  }
0x6a: {  	_ =	swait.ge [sflag:s9], $0x2000  }
0x6b: {  	[sflag:s9] =	ssyncset.done $0x0  }
0x6c: {  	s28 =	simm.s32 $0x680;
	[sflag:s9] =	ssyncadd.s32 $0xFFFFE000  }
0x6d: {  	[tilespmem:s23], [sflag:$0x6] =	stream.indirect.gather [spmem:s2], $0x80, s28, s16, $0xb8;
	[tilespmem:$0x1E740] =	vst v63  }
0x6e: {  	_ =	swait.ge [sflag:s10], $0x2000  }
0x6f: {  	[sflag:s10] =	ssyncset.done $0x0  }
0x70: {  	s30 =	simm.s32 $0x700;
	[sflag:s10] =	ssyncadd.s32 $0xFFFFE000  }
0x71: {  	[tilespmem:s25], [sflag:$0x7] =	stream.indirect.gather [spmem:s2], $0x80, s30, s16, $0xb8;
	[tilespmem:$0x1E740] =	vst v63  }
0x72: {  	_ =	swait.ge [sflag:s11], $0x2000  }
0x73: {  	s13 =	simm.s32 $0x780;
	[sflag:s11] =	ssyncset.done $0x0  }
0x74: {  	s14 =	simm.s32 $0x2000;
	s15 =	simm.s32 $0xB80;
	[sflag:s11] =	ssyncadd.s32 $0xFFFFE000  }
.LBB2_2:
0x75: {  	s0 =	simm.s32 $0x1A800;
	s1 =	simm.s32 $0x1  }
0x76: {  	[tilespmem:s0], [sflag:$0x8] =	stream.indirect.gather [spmem:s2], $0x80, s13, s16, $0xb8;
	[tilespmem:$0x1E740] =	vst v63  }
0x77: {  	_ =	swait.ge [sflag:s1], $0x2000  }
0x78: {  	s12 =	smov.u32 s14;
	s17 =	rddreg [dreg:$0x5];
	[sflag:s1] =	ssyncset.done $0x0  }
0x79: {  	s19 =	simm.s32 $0xC800;
	[sflag:s1] =	ssyncadd.s32 $0xFFFFE000;
	s17 =	sadd.s32 s12, s17  }
0x7a: {  	[hbm4b:s17+s3] =	stream.linear.scatter [tilespmem:s19], [sflag:$0x9], $0x2000, $0x38;
	[tilespmem:$0x1E740] =	vst v63  }
0x7b: {  	_ =	swait.ge [sflag:s18], $0x2000  }
0x7c: {  	s23 =	rddreg [dreg:$0x6]  }
0x7d: {  	[sflag:s18] =	ssyncset.done $0x0;
	s12 =	sadd.s32 s12, s23  }
0x7e: {  	s21 =	simm.s32 $0xE800;
	[sflag:s18] =	ssyncadd.s32 $0xFFFFE000;
	s17 =	sadd.s32 $0x400, s12  }
0x7f: {  	[hbm4b:s17+s3] =	stream.linear.scatter [tilespmem:s21], [sflag:$0xA], $0x2000, $0x38;
	[tilespmem:$0x1E740] =	vst v63  }
0x80: {  	_ =	swait.ge [sflag:s20], $0x2000  }
0x81: {  	[sflag:s20] =	ssyncset.done $0x0  }
0x82: {  	s23 =	simm.s32 $0x10800;
	s25 =	sadd.s32 $0x800, s12;
	[sflag:s20] =	ssyncadd.s32 $0xFFFFE000  }
0x83: {  	[hbm4b:s25+s3] =	stream.linear.scatter [tilespmem:s23], [sflag:$0xB], $0x2000, $0x38;
	[tilespmem:$0x1E740] =	vst v63  }
0x84: {  	_ =	swait.ge [sflag:s22], $0x2000  }
0x85: {  	[sflag:s22] =	ssyncset.done $0x0  }
0x86: {  	s1 =	sadd.s32 $0xC00, s12;
	s25 =	simm.s32 $0x12800;
	[sflag:s22] =	ssyncadd.s32 $0xFFFFE000  }
0x87: {  	[hbm4b:s1+s3] =	stream.linear.scatter [tilespmem:s25], [sflag:$0xC], $0x2000, $0x38;
	[tilespmem:$0x1E740] =	vst v63  }
0x88: {  	_ =	swait.ge [sflag:s24], $0x2000  }
0x89: {  	[sflag:s24] =	ssyncset.done $0x0  }
0x8a: {  	s28 =	simm.s32 $0x14800;
	s1 =	sadd.s32 $0x1000, s12;
	[sflag:s24] =	ssyncadd.s32 $0xFFFFE000  }
0x8b: {  	[hbm4b:s1+s3] =	stream.linear.scatter [tilespmem:s28], [sflag:$0xD], $0x2000, $0x38;
	[tilespmem:$0x1E740] =	vst v63  }
0x8c: {  	_ =	swait.ge [sflag:s26], $0x2000  }
0x8d: {  	[sflag:s26] =	ssyncset.done $0x0  }
0x8e: {  	s30 =	simm.s32 $0x16800;
	s1 =	sadd.s32 $0x1400, s12;
	[sflag:s26] =	ssyncadd.s32 $0xFFFFE000  }
0x8f: {  	[hbm4b:s1+s3] =	stream.linear.scatter [tilespmem:s30], [sflag:$0xE], $0x2000, $0x38;
	[tilespmem:$0x1E740] =	vst v63  }
0x90: {  	_ =	swait.ge [sflag:s29], $0x2000  }
0x91: {  	[sflag:s29] =	ssyncset.done $0x0  }
0x92: {  	s17 =	sadd.s32 $0x1800, s12;
	s1 =	simm.s32 $0x18800;
	[sflag:s29] =	ssyncadd.s32 $0xFFFFE000  }
0x93: {  	[hbm4b:s17+s3] =	stream.linear.scatter [tilespmem:s1], [sflag:$0xF], $0x2000, $0x38;
	[tilespmem:$0x1E740] =	vst v63  }
0x94: {  	_ =	swait.ge [sflag:s31], $0x2000  }
0x95: {  	[sflag:s31] =	ssyncset.done $0x0  }
0x96: {  	s12 =	sadd.s32 $0x1C00, s12;
	[sflag:s31] =	ssyncadd.s32 $0xFFFFE000  }
0x97: {  	[hbm4b:s12+s3] =	stream.linear.scatter [tilespmem:s0], [sflag:$0x10], $0x2000, $0x38;
	[tilespmem:$0x1E740] =	vst v63  }
0x98: {  	_ =	swait.ge [sflag:s4], $0x2000  }
0x99: {  	[sflag:s4] =	ssyncset.done $0x0  }
0x9a: {  	s0 =	sadd.s32 $0xFFFFFC80, s15;
	[sflag:s4] =	ssyncadd.s32 $0xFFFFE000  }
0x9b: {  	[tilespmem:s19], [sflag:$0x1] =	stream.indirect.gather [spmem:s2], $0x80, s0, s16, $0xb8;
	[tilespmem:$0x1E740] =	vst v63  }
0x9c: {  	_ =	swait.ge [sflag:s5], $0x2000  }
0x9d: {  	[sflag:s5] =	ssyncset.done $0x0  }
0x9e: {  	s0 =	sadd.s32 $0xFFFFFD00, s15;
	[sflag:s5] =	ssyncadd.s32 $0xFFFFE000  }
0x9f: {  	[tilespmem:s21], [sflag:$0x2] =	stream.indirect.gather [spmem:s2], $0x80, s0, s16, $0xb8;
	[tilespmem:$0x1E740] =	vst v63  }
0xa0: {  	_ =	swait.ge [sflag:s6], $0x2000  }
0xa1: {  	[sflag:s6] =	ssyncset.done $0x0  }
0xa2: {  	s0 =	sadd.s32 $0xFFFFFD80, s15;
	[sflag:s6] =	ssyncadd.s32 $0xFFFFE000  }
0xa3: {  	[tilespmem:s23], [sflag:$0x3] =	stream.indirect.gather [spmem:s2], $0x80, s0, s16, $0xb8;
	[tilespmem:$0x1E740] =	vst v63  }
0xa4: {  	_ =	swait.ge [sflag:s7], $0x2000  }
0xa5: {  	[sflag:s7] =	ssyncset.done $0x0  }
0xa6: {  	s0 =	sadd.s32 $0xFFFFFE00, s15;
	[sflag:s7] =	ssyncadd.s32 $0xFFFFE000  }
0xa7: {  	[tilespmem:s25], [sflag:$0x4] =	stream.indirect.gather [spmem:s2], $0x80, s0, s16, $0xb8;
	[tilespmem:$0x1E740] =	vst v63  }
0xa8: {  	_ =	swait.ge [sflag:s8], $0x2000  }
0xa9: {  	[sflag:s8] =	ssyncset.done $0x0  }
0xaa: {  	s0 =	sadd.s32 $0xFFFFFE80, s15;
	[sflag:s8] =	ssyncadd.s32 $0xFFFFE000  }
0xab: {  	[tilespmem:s28], [sflag:$0x5] =	stream.indirect.gather [spmem:s2], $0x80, s0, s16, $0xb8;
	[tilespmem:$0x1E740] =	vst v63  }
0xac: {  	_ =	swait.ge [sflag:s9], $0x2000  }
0xad: {  	[sflag:s9] =	ssyncset.done $0x0  }
0xae: {  	p1 =	sne.s32 s14, $0x60000;
	s0 =	sadd.s32 $0xFFFFFF00, s15;
	[sflag:s9] =	ssyncadd.s32 $0xFFFFE000  }
0xaf: {  	[tilespmem:s30], [sflag:$0x6] =	stream.indirect.gather [spmem:s2], $0x80, s0, s16, $0xb8;
	[tilespmem:$0x1E740] =	vst v63  }
0xb0: {  	s14 =	sadd.s32 $0x2000, s14;
	s13 =	smov.u32 s15;
	_ =	swait.ge [sflag:s10], $0x2000  }
0xb1: {  	s17 =	simm.s32 $0xC800;
	s19 =	simm.s32 $0xE800;
	[sflag:s10] =	ssyncset.done $0x0  }
.Ltmp0:
0xb2: {  	s0 =	sadd.s32 $0xFFFFFF80, s15;
	[sflag:s10] =	ssyncadd.s32 $0xFFFFE000;
	(pc) =	sbr.rel @p1 .LBB2_2-.Ltmp0, $4  }
0xb3: {  	[tilespmem:s1], [sflag:$0x7] =	stream.indirect.gather [spmem:s2], $0x80, s0, s16, $0xb8;
	[tilespmem:$0x1E740] =	vst v63  }
0xb4: {  	s21 =	simm.s32 $0x10800;
	s23 =	simm.s32 $0x12800;
	_ =	swait.ge [sflag:s11], $0x2000  }
0xb5: {  	s25 =	simm.s32 $0x14800;
	s28 =	simm.s32 $0x16800;
	[sflag:s11] =	ssyncset.done $0x0  }
0xb6: {  	s30 =	simm.s32 $0x18800;
	s15 =	sadd.s32 $0x400, s15;
	[sflag:s11] =	ssyncadd.s32 $0xFFFFE000  }
0xb7: {  	s0 =	simm.s32 $0x1A800;
	s1 =	simm.s32 $0x1  }
0xb8: {  	[tilespmem:s0], [sflag:$0x8] =	stream.indirect.gather [spmem:s2], $0x80, s13, s16, $0xb8;
	[tilespmem:$0x1E740] =	vst v63  }
0xb9: {  	_ =	swait.ge [sflag:s1], $0x2000  }
0xba: {  	[sflag:s1] =	ssyncset.done $0x0  }
0xbb: {  	s12 =	rddreg [dreg:$0x8];
	[sflag:s1] =	ssyncadd.s32 $0xFFFFE000  }
0xbc: {  	[hbm4b:s12+s3] =	stream.linear.scatter [tilespmem:s17], [sflag:$0x9], $0x2000, $0x38;
	[tilespmem:$0x1E740] =	vst v63  }
0xbd: {  	_ =	swait.ge [sflag:s18], $0x2000  }
0xbe: {  	[sflag:s18] =	ssyncset.done $0x0  }
0xbf: {  	s14 =	rddreg [dreg:$0x9];
	[sflag:s18] =	ssyncadd.s32 $0xFFFFE000  }
0xc0: {  	[hbm4b:s14+s3] =	stream.linear.scatter [tilespmem:s19], [sflag:$0xA], $0x2000, $0x38;
	[tilespmem:$0x1E740] =	vst v63  }
0xc1: {  	_ =	swait.ge [sflag:s20], $0x2000  }
0xc2: {  	[sflag:s20] =	ssyncset.done $0x0  }
0xc3: {  	s15 =	rddreg [dreg:$0xa];
	[sflag:s20] =	ssyncadd.s32 $0xFFFFE000  }
0xc4: {  	[hbm4b:s15+s3] =	stream.linear.scatter [tilespmem:s21], [sflag:$0xB], $0x2000, $0x38;
	[tilespmem:$0x1E740] =	vst v63  }
0xc5: {  	_ =	swait.ge [sflag:s22], $0x2000  }
0xc6: {  	[sflag:s22] =	ssyncset.done $0x0  }
0xc7: {  	s17 =	rddreg [dreg:$0xb];
	[sflag:s22] =	ssyncadd.s32 $0xFFFFE000  }
0xc8: {  	[hbm4b:s17+s3] =	stream.linear.scatter [tilespmem:s23], [sflag:$0xC], $0x2000, $0x38;
	[tilespmem:$0x1E740] =	vst v63  }
0xc9: {  	_ =	swait.ge [sflag:s24], $0x2000  }
0xca: {  	[sflag:s24] =	ssyncset.done $0x0  }
0xcb: {  	s19 =	rddreg [dreg:$0xc];
	[sflag:s24] =	ssyncadd.s32 $0xFFFFE000  }
0xcc: {  	[hbm4b:s19+s3] =	stream.linear.scatter [tilespmem:s25], [sflag:$0xD], $0x2000, $0x38;
	[tilespmem:$0x1E740] =	vst v63  }
0xcd: {  	_ =	swait.ge [sflag:s26], $0x2000  }
0xce: {  	[sflag:s26] =	ssyncset.done $0x0  }
0xcf: {  	s21 =	rddreg [dreg:$0xd];
	[sflag:s26] =	ssyncadd.s32 $0xFFFFE000  }
0xd0: {  	[hbm4b:s21+s3] =	stream.linear.scatter [tilespmem:s28], [sflag:$0xE], $0x2000, $0x38;
	[tilespmem:$0x1E740] =	vst v63  }
0xd1: {  	_ =	swait.ge [sflag:s29], $0x2000  }
0xd2: {  	[sflag:s29] =	ssyncset.done $0x0  }
0xd3: {  	s23 =	rddreg [dreg:$0xe];
	[sflag:s29] =	ssyncadd.s32 $0xFFFFE000  }
0xd4: {  	[hbm4b:s23+s3] =	stream.linear.scatter [tilespmem:s30], [sflag:$0xF], $0x2000, $0x38;
	[tilespmem:$0x1E740] =	vst v63  }
0xd5: {  	_ =	swait.ge [sflag:s31], $0x2000  }
0xd6: {  	[sflag:s31] =	ssyncset.done $0x0  }
0xd7: {  	s25 =	rddreg [dreg:$0xf];
	[sflag:s31] =	ssyncadd.s32 $0xFFFFE000  }
0xd8: {  	[hbm4b:s25+s3] =	stream.linear.scatter [tilespmem:s0], [sflag:$0x10], $0x2000, $0x38;
	[tilespmem:$0x1E740] =	vst v63  }
0xd9: {  	_ =	swait.ge [sflag:s4], $0x2000  }
0xda: {  	[sflag:s4] =	ssyncset.done $0x0  }
0xdb: {  	[sflag:s4] =	ssyncadd.s32 $0xFFFFE000  }
0xdc: {  	_ =	swait.ge [sflag:s5], $0x2000  }
0xdd: {  	[sflag:s5] =	ssyncset.done $0x0  }
0xde: {  	[sflag:s5] =	ssyncadd.s32 $0xFFFFE000  }
0xdf: {  	_ =	swait.ge [sflag:s6], $0x2000  }
0xe0: {  	[sflag:s6] =	ssyncset.done $0x0  }
0xe1: {  	[sflag:s6] =	ssyncadd.s32 $0xFFFFE000  }
0xe2: {  	_ =	swait.ge [sflag:s7], $0x2000  }
0xe3: {  	[sflag:s7] =	ssyncset.done $0x0  }
0xe4: {  	[sflag:s7] =	ssyncadd.s32 $0xFFFFE000  }
0xe5: {  	_ =	swait.ge [sflag:s8], $0x2000  }
0xe6: {  	[sflag:s8] =	ssyncset.done $0x0  }
0xe7: {  	[sflag:s8] =	ssyncadd.s32 $0xFFFFE000  }
0xe8: {  	_ =	swait.ge [sflag:s9], $0x2000  }
0xe9: {  	[sflag:s9] =	ssyncset.done $0x0  }
0xea: {  	[sflag:s9] =	ssyncadd.s32 $0xFFFFE000  }
0xeb: {  	_ =	swait.ge [sflag:s10], $0x2000  }
0xec: {  	[sflag:s10] =	ssyncset.done $0x0  }
0xed: {  	[sflag:s10] =	ssyncadd.s32 $0xFFFFE000  }
0xee: {  	_ =	swait.ge [sflag:s11], $0x2000  }
0xef: {  	s28 =	rddreg [dreg:$0x12]  }
0xf0: {  	s30 =	rddreg [dreg:$0x10];
	s0 =	sadd.s32 $0x1, s28  }
0xf1: {  	p1 =	sne.s32 s0, s30  }
.Ltmp1:
0xf2: {  	_ = 	snop;
	(pc) =	sbr.rel @p1 .LBB2_1-.Ltmp1, $3  }
0xf3: {  	_ =	sdelay $0x1  }
0xf4: {  	[sflag:s11] =	ssyncset.done $0x0  }
0xf5: {  	[sflag:s11] =	ssyncadd.s32 $0xFFFFE000  }
0xf6: {  	_ =	sfence.sel $0x180000  }
0xf7: {  	[bflag:$0x0] =	sbarrier.arrive $0xFFFF  }
0xf8: {  	_ =	strace $0x90000047  }
0xf9: {  	[bflag:$0x2] =	sbarrier.arrive $0xFFFF  }
0xfa: {  	s0 =	rddreg [dreg:$0x4]  }
0xfb: {  	s0 =	sadd.s32 @!p0 $0x100000, s0  }
0xfc: {  	[sflag:s0] =	ssyncadd.tile.s32 @!p0 $0x1;
	_ =	shalt  }
.Lfunc_end2:
_tile_overlayer_lowered:
.L_overlay_start_2:
0xfd: {  	(tag) =	ssettag $0x2  }
0xfe: {  	s0 =	rddreg [dreg:$0x0];
	s2 =	stileid.u32  }
0xff: {  	s1 =	rddreg [dreg:$0x1];
	p0 =	sne.s32 s2, $0x0  }
0x100: {  	s3 =	rddreg [dreg:$0x2];
	[bflag:$0x3] =	sbarrier.arrive $0xFFFF;
	s2 =	simm.s32 @!p0 $0x1C11  }
0x101: {  	[timem:s3], [sflag:s2] =	dma.local @!p0 [hbm:s0], s1  }
0x102: {  	s0 =	simm.s32 @!p0 $0x11  }
0x103: {  	_ =	swait.ge @!p0 [sflag:s0], s1  }
0x104: {  	s1 =	ssub.s32 @!p0 $0x0, s1;
	[sflag:s0] =	ssyncset.done @!p0 $0x0  }
0x105: {  	[sflag:s0] =	ssyncadd.s32 @!p0 s1  }
0x106: {  	[bflag:$0x3] =	sbarrier.arrive $0xFFFF  }
0x107: {  	_ =	shalt  }

</sc_bundles>
